<compile_context>
chip_gen: v7x
topology: tpu7x:2x2x1
jax: 0.10.2.dev20260603
libtpu: 0.0.44.dev20260713+nightly
codegen_flags: <defaults>
</compile_context>

<pallas_src>
import functools

import jax
import jax.numpy as jnp
from jax import lax
from jax.experimental import pallas as pl
from jax.experimental.pallas import tpu as pltpu
from jax.experimental.pallas import tpu_sc as plsc

CHANS = 64
SAMPLES = 1024
DIM = 128
NCORES = 2
NSUB = 16
NW = NCORES * NSUB
NLANE = 16
NJ = DIM // NLANE


NSLOT = 2
XCH = 4
QS = 2


def _splat(vec, idx):
    return lax.gather(
        vec,
        idx[:, None],
        lax.GatherDimensionNumbers(
            offset_dims=(), collapsed_slice_dims=(0,), start_index_map=(0,)),
        (1,),
        mode=lax.GatherScatterMode.PROMISE_IN_BOUNDS,
    )


def _sc_body(nb, x_hbm, t_hbm, c_hbm, w_hbm, b_hbm, out_hbm,
             cb_v, t_v, x_v, w_v, b_v, obuf_v, *sems):
    spw = nb * SAMPLES // NW
    wpb = SAMPLES // spw
    wid = lax.axis_index("s") * NCORES + lax.axis_index("c")
    b_idx = wid // wpb
    s0 = (wid % wpb) * spw

    cp1 = pltpu.async_copy(c_hbm, cb_v, sems[0])
    cp2 = pltpu.async_copy(w_hbm, w_v, sems[0])
    cp3 = pltpu.async_copy(b_hbm, b_v, sems[0])
    cp4 = pltpu.async_copy(t_hbm.at[pl.ds(s0, spw)], t_v, sems[1])
    cp5 = pltpu.async_copy(x_hbm.at[b_idx, pl.ds(s0, spw), :], x_v, sems[1])
    cp1.wait()
    cp2.wait()
    cp3.wait()
    cp4.wait()
    cp5.wait()

    wv = [w_v[pl.ds(NLANE * j, NLANE)] for j in range(NJ)]
    bv = [b_v[pl.ds(NLANE * j, NLANE)] for j in range(NJ)]

    def fold_bias(c, carry):
        for j in range(NJ):
            sl = pl.ds(NLANE * j, NLANE)
            cb_v[c, sl] = cb_v[c, sl] + bv[j]
        return carry

    lax.fori_loop(0, CHANS, fold_bias, 0)

    def do_pair(i, qq, slot):
        g0 = XCH * i + QS * qq

        @pl.when(XCH * i + QS * qq >= QS * NSLOT)
        def _wait_prev():
            pltpu.make_async_copy(
                obuf_v.at[slot],
                out_hbm.at[0, pl.ds(0, QS * CHANS), :],
                sems[slot],
            ).wait()

        tv0 = [t_v[g0, pl.ds(NLANE * j, NLANE)] for j in range(NJ)]
        tv1 = [t_v[g0 + 1, pl.ds(NLANE * j, NLANE)] for j in range(NJ)]
        lane0 = lax.iota(jnp.int32, NLANE) * 0

        @plsc.parallel_loop(0, CHANS, unroll=2)
        def per_c(c):
            ksl = pl.ds((c // NLANE) * NLANE, NLANE)
            idx = lane0 + (c % NLANE)
            xb0 = _splat(x_v[g0, ksl], idx)
            xb1 = _splat(x_v[g0 + 1, ksl], idx)
            for j in range(NJ):
                sl = pl.ds(NLANE * j, NLANE)
                cbj = cb_v[c, sl]
                obuf_v[slot, c, sl] = tv0[j] + cbj + xb0 * wv[j]
                obuf_v[slot, CHANS + c, sl] = tv1[j] + cbj + xb1 * wv[j]

        row0 = (s0 + g0) * CHANS
        pltpu.async_copy(
            obuf_v.at[slot],
            out_hbm.at[b_idx, pl.ds(row0, QS * CHANS), :],
            sems[slot],
        )

    def chunk(i, carry):
        for qq in range(XCH // QS):
            do_pair(i, qq, qq % NSLOT)
        return carry

    lax.fori_loop(0, spw // XCH, chunk, 0)

    for slot in range(NSLOT):
        pltpu.make_async_copy(
            obuf_v.at[slot],
            out_hbm.at[0, pl.ds(0, QS * CHANS), :],
            sems[slot],
        ).wait()


def _sc_call(xs, t_table, c_table, w_flat, b, nb):
    spw = nb * SAMPLES // NW
    body = functools.partial(_sc_body, nb)
    return pl.kernel(
        body,
        out_type=jax.ShapeDtypeStruct((nb, SAMPLES * CHANS, DIM), jnp.float32),
        mesh=plsc.VectorSubcoreMesh(
            core_axis_name="c", subcore_axis_name="s",
            num_cores=NCORES, num_subcores=NSUB,
        ),
        scratch_types=[
            pltpu.VMEM((CHANS, DIM), jnp.float32),
            pltpu.VMEM((spw, DIM), jnp.float32),
            pltpu.VMEM((spw, CHANS), jnp.float32),
            pltpu.VMEM((DIM,), jnp.float32),
            pltpu.VMEM((DIM,), jnp.float32),
            pltpu.VMEM((NSLOT, QS * CHANS, DIM), jnp.float32),
        ] + [pltpu.SemaphoreType.DMA] * NSLOT,
    )(xs, t_table, c_table, w_flat, b)


def kernel(x, t_table, c_table, W, b):
    xt = jnp.transpose(x[:, 0], (0, 2, 1))
    w_flat = W[:, 0]
    return _sc_call(xt, t_table, c_table, w_flat, b, x.shape[0])

# --- scband reference (transcript-rebuilt; emitter-appended) ---
"""Pipeline reference for scband-eeg2-dtokenizer-16578573762705 (READ-ONLY COPY).

The authoritative reference and input builder live on the scoring server;
editing this copy changes nothing except your own understanding.
"""

import jax, jax.numpy as jnp
import numpy as np

CHANS = 64
SAMPLES = 1024
DIM = 128
BATCH = 4


def setup_inputs(seed: int = 0) -> dict:
    key = jax.random.key(seed)
    k1, k2, k3, k4, k5 = jax.random.split(key, 5)
    x = jax.random.normal(k1, (BATCH, 1, CHANS, SAMPLES), dtype=jnp.float32)
    t_table = jax.random.normal(k2, (SAMPLES, DIM), dtype=jnp.float32) * 0.02
    c_table = jax.random.normal(k3, (CHANS, DIM), dtype=jnp.float32) * 0.02
    W = jax.random.normal(k4, (DIM, 1), dtype=jnp.float32) * 0.02
    b = jax.random.normal(k5, (DIM,), dtype=jnp.float32) * 0.02
    return {"x": x, "t_table": t_table, "c_table": c_table, "W": W, "b": b}


def reference(x, t_table, c_table, W, b):
    batch_size = x.shape[0]
    xs = x[:, 0]                          # squeeze(1) -> [B, chans, samples]
    xs = jnp.transpose(xs, (0, 2, 1))      # [B, samples, chans]
    xs = xs.reshape(batch_size, -1, 1)     # [B, samples*chans, 1]
    t_pos = jnp.repeat(jnp.arange(SAMPLES), CHANS)   # repeat_interleave
    c_pos = jnp.tile(jnp.arange(CHANS), (SAMPLES,))  # repeat
    t_emb = jnp.take(t_table, t_pos, axis=0)
    c_emb = jnp.take(c_table, c_pos, axis=0)
    pos_emb = t_emb + c_emb                # [samples*chans, dim]
    proj = xs @ W.T + b                    # Linear(1, dim)
    out = proj + pos_emb[None, :, :]
    return out

if __name__ == "__main__":
    import jax
    _d = setup_inputs()
    print(jax.jit(kernel)(*tuple(_d.values())))

</pallas_src>

<mosaic_0001>
#map = affine_map<(d0, d1) -> (0, 0, 0)>
#map1 = affine_map<(d0, d1) -> (0, 0)>
#map2 = affine_map<(d0, d1) -> (0)>
module attributes {stable_mosaic.version = 14 : i64} {
  func.func @_sc_body(%arg0: i32, %arg1: i32, %arg2: memref<4x1024x64xf32, #tpu.memory_space<hbm>>, %arg3: memref<1024x128xf32, #tpu.memory_space<hbm>>, %arg4: memref<64x128xf32, #tpu.memory_space<hbm>>, %arg5: memref<128xf32, #tpu.memory_space<hbm>>, %arg6: memref<128xf32, #tpu.memory_space<hbm>>, %arg7: memref<4x65536x128xf32, #tpu.memory_space<hbm>>, %arg8: memref<64x128xf32, #tpu.memory_space<vmem>>, %arg9: memref<128x128xf32, #tpu.memory_space<vmem>>, %arg10: memref<128x64xf32, #tpu.memory_space<vmem>>, %arg11: memref<128xf32, #tpu.memory_space<vmem>>, %arg12: memref<128xf32, #tpu.memory_space<vmem>>, %arg13: memref<2x128x128xf32, #tpu.memory_space<vmem>>, %arg14: memref<!tpu.dma_semaphore, #tpu.memory_space<semaphore_mem>>, %arg15: memref<!tpu.dma_semaphore, #tpu.memory_space<semaphore_mem>>) attributes {dimension_semantics = [#tpu.dimension_semantics<core_parallel>, #tpu.dimension_semantics<subcore_parallel>], iteration_bounds = array<i64: 2, 16>, scalar_prefetch = 0 : i64, scratch_operands = 8 : i64, tpu.core_type = #tpu.core_type<sc_vector_subcore>, window_params = [{transform_indices = #map}, {transform_indices = #map1}, {transform_indices = #map1}, {transform_indices = #map2}, {transform_indices = #map2}, {transform_indices = #map}]} {
    %mul3A = arith.constant 2 : i32
    %mul3A_0 = arith.muli %arg1, %mul3A : i32
    %add3A = arith.addi %mul3A_0, %arg0 : i32
    %jit3A = arith.constant 8 : i32
    %div3A = arith.divsi %add3A, %jit3A : i32
    %sign3A = arith.constant 0 : i32
    %sign3A_1 = arith.cmpi sgt, %add3A, %sign3A : i32
    %sign3A_2 = arith.extui %sign3A_1 : i1 to i32
    %sign3A_3 = arith.constant 0 : i32
    %sign3A_4 = arith.cmpi slt, %add3A, %sign3A_3 : i32
    %sign3A_5 = arith.extui %sign3A_4 : i1 to i32
    %sign3A_6 = arith.subi %sign3A_2, %sign3A_5 : i32
    %sign3A_7 = arith.constant 0 : i32
    %sign3A_8 = arith.cmpi sgt, %jit3A, %sign3A_7 : i32
    %sign3A_9 = arith.extui %sign3A_8 : i1 to i32
    %sign3A_10 = arith.constant 0 : i32
    %sign3A_11 = arith.cmpi slt, %jit3A, %sign3A_10 : i32
    %sign3A_12 = arith.extui %sign3A_11 : i1 to i32
    %sign3A_13 = arith.subi %sign3A_9, %sign3A_12 : i32
    %ne3A = arith.cmpi ne, %sign3A_6, %sign3A_13 : i32
    %rem3A = arith.remsi %add3A, %jit3A : i32
    %ne3A_14 = arith.constant 0 : i32
    %ne3A_15 = arith.cmpi ne, %rem3A, %ne3A_14 : i32
    %and3A = arith.andi %ne3A, %ne3A_15 : i1
    %sub3A = arith.constant 1 : i32
    %sub3A_16 = arith.subi %div3A, %sub3A : i32
    %select_n3A = arith.select %and3A, %sub3A_16, %div3A : i32
    %jit3A_17 = arith.constant 8 : i32
    %eq3A = arith.constant 0 : i32
    %eq3A_18 = arith.cmpi eq, %jit3A_17, %eq3A : i32
    %jit3A_19 = arith.constant 1 : i32
    %select_n3A_20 = arith.select %eq3A_18, %jit3A_19, %jit3A_17 : i32
    %rem3A_21 = arith.remsi %add3A, %select_n3A_20 : i32
    %ne3A_22 = arith.constant 0 : i32
    %ne3A_23 = arith.cmpi ne, %rem3A_21, %ne3A_22 : i32
    %lt3A = arith.constant 0 : i32
    %lt3A_24 = arith.cmpi slt, %rem3A_21, %lt3A : i32
    %lt3A_25 = arith.constant 0 : i32
    %lt3A_26 = arith.cmpi slt, %select_n3A_20, %lt3A_25 : i32
    %ne3A_27 = arith.xori %lt3A_24, %lt3A_26 : i1
    %and3A_28 = arith.andi %ne3A_27, %ne3A_23 : i1
    %add3A_29 = arith.addi %rem3A_21, %select_n3A_20 : i32
    %select_n3A_30 = arith.select %and3A_28, %add3A_29, %rem3A_21 : i32
    %mul3A_31 = arith.constant 128 : i32
    %mul3A_32 = arith.muli %select_n3A_30, %mul3A_31 : i32
    tpu.enqueue_dma source(%arg4 : memref<64x128xf32, #tpu.memory_space<hbm>>) target(%arg8 : memref<64x128xf32, #tpu.memory_space<vmem>>) target_semaphore(%arg14 : memref<!tpu.dma_semaphore, #tpu.memory_space<semaphore_mem>>)
    tpu.enqueue_dma source(%arg5 : memref<128xf32, #tpu.memory_space<hbm>>) target(%arg11 : memref<128xf32, #tpu.memory_space<vmem>>) target_semaphore(%arg14 : memref<!tpu.dma_semaphore, #tpu.memory_space<semaphore_mem>>)
    tpu.enqueue_dma source(%arg6 : memref<128xf32, #tpu.memory_space<hbm>>) target(%arg12 : memref<128xf32, #tpu.memory_space<vmem>>) target_semaphore(%arg14 : memref<!tpu.dma_semaphore, #tpu.memory_space<semaphore_mem>>)
    %dma_start3A = arith.constant 0 : i32
    %dma_start3A_33 = tpu.memref_slice %arg3[%mul3A_32, %dma_start3A] : memref<1024x128xf32, #tpu.memory_space<hbm>> -> memref<128x128xf32, #tpu.memory_space<hbm>>
    %dma_start3A_34 = arith.constant 0 : i32
    %dma_start3A_35 = tpu.memref_slice %arg3[%mul3A_32, %dma_start3A_34] : memref<1024x128xf32, #tpu.memory_space<hbm>> -> memref<128x128xf32, #tpu.memory_space<hbm>>
    tpu.enqueue_dma source(%dma_start3A_35 : memref<128x128xf32, #tpu.memory_space<hbm>>) target(%arg9 : memref<128x128xf32, #tpu.memory_space<vmem>>) target_semaphore(%arg15 : memref<!tpu.dma_semaphore, #tpu.memory_space<semaphore_mem>>)
    %dma_start3A_36 = arith.constant 0 : i32
    %dma_start3A_37 = tpu.memref_slice %arg2[%select_n3A, %mul3A_32, %dma_start3A_36] : memref<4x1024x64xf32, #tpu.memory_space<hbm>> -> memref<1x128x64xf32, #tpu.memory_space<hbm>>
    %dma_start3A_38 = tpu.memref_squeeze %dma_start3A_37 : memref<1x128x64xf32, #tpu.memory_space<hbm>> -> memref<128x64xf32, #tpu.memory_space<hbm>>
    %dma_start3A_39 = arith.constant 0 : i32
    %dma_start3A_40 = tpu.memref_slice %arg2[%select_n3A, %mul3A_32, %dma_start3A_39] : memref<4x1024x64xf32, #tpu.memory_space<hbm>> -> memref<1x128x64xf32, #tpu.memory_space<hbm>>
    %dma_start3A_41 = tpu.memref_squeeze %dma_start3A_40 : memref<1x128x64xf32, #tpu.memory_space<hbm>> -> memref<128x64xf32, #tpu.memory_space<hbm>>
    tpu.enqueue_dma source(%dma_start3A_41 : memref<128x64xf32, #tpu.memory_space<hbm>>) target(%arg10 : memref<128x64xf32, #tpu.memory_space<vmem>>) target_semaphore(%arg15 : memref<!tpu.dma_semaphore, #tpu.memory_space<semaphore_mem>>)
    tpu.wait_dma2 semaphore(%arg14 : memref<!tpu.dma_semaphore, #tpu.memory_space<semaphore_mem>>) src(%arg4 : memref<64x128xf32, #tpu.memory_space<hbm>>) dst(%arg8 : memref<64x128xf32, #tpu.memory_space<vmem>>)
    tpu.wait_dma2 semaphore(%arg14 : memref<!tpu.dma_semaphore, #tpu.memory_space<semaphore_mem>>) src(%arg5 : memref<128xf32, #tpu.memory_space<hbm>>) dst(%arg11 : memref<128xf32, #tpu.memory_space<vmem>>)
    tpu.wait_dma2 semaphore(%arg14 : memref<!tpu.dma_semaphore, #tpu.memory_space<semaphore_mem>>) src(%arg6 : memref<128xf32, #tpu.memory_space<hbm>>) dst(%arg12 : memref<128xf32, #tpu.memory_space<vmem>>)
    %dma_wait3A = arith.constant 0 : i32
    %dma_wait3A_42 = tpu.memref_slice %arg3[%mul3A_32, %dma_wait3A] : memref<1024x128xf32, #tpu.memory_space<hbm>> -> memref<128x128xf32, #tpu.memory_space<hbm>>
    %dma_wait3A_43 = arith.constant 0 : i32
    %dma_wait3A_44 = tpu.memref_slice %arg3[%mul3A_32, %dma_wait3A_43] : memref<1024x128xf32, #tpu.memory_space<hbm>> -> memref<128x128xf32, #tpu.memory_space<hbm>>
    tpu.wait_dma2 semaphore(%arg15 : memref<!tpu.dma_semaphore, #tpu.memory_space<semaphore_mem>>) src(%dma_wait3A_44 : memref<128x128xf32, #tpu.memory_space<hbm>>) dst(%arg9 : memref<128x128xf32, #tpu.memory_space<vmem>>)
    %dma_wait3A_45 = arith.constant 0 : i32
    %dma_wait3A_46 = tpu.memref_slice %arg2[%select_n3A, %mul3A_32, %dma_wait3A_45] : memref<4x1024x64xf32, #tpu.memory_space<hbm>> -> memref<1x128x64xf32, #tpu.memory_space<hbm>>
    %dma_wait3A_47 = tpu.memref_squeeze %dma_wait3A_46 : memref<1x128x64xf32, #tpu.memory_space<hbm>> -> memref<128x64xf32, #tpu.memory_space<hbm>>
    %dma_wait3A_48 = arith.constant 0 : i32
    %dma_wait3A_49 = tpu.memref_slice %arg2[%select_n3A, %mul3A_32, %dma_wait3A_48] : memref<4x1024x64xf32, #tpu.memory_space<hbm>> -> memref<1x128x64xf32, #tpu.memory_space<hbm>>
    %dma_wait3A_50 = tpu.memref_squeeze %dma_wait3A_49 : memref<1x128x64xf32, #tpu.memory_space<hbm>> -> memref<128x64xf32, #tpu.memory_space<hbm>>
    tpu.wait_dma2 semaphore(%arg15 : memref<!tpu.dma_semaphore, #tpu.memory_space<semaphore_mem>>) src(%dma_wait3A_50 : memref<128x64xf32, #tpu.memory_space<hbm>>) dst(%arg10 : memref<128x64xf32, #tpu.memory_space<vmem>>)
    %get3A = arith.constant 0 : index
    %get3A_51 = tpu.vector_load %arg11[%get3A] {strides = array<i32>} : memref<128xf32, #tpu.memory_space<vmem>>, vector<16xf32>,
    %get3A_52 = vector.shape_cast %get3A_51 : vector<16xf32> to vector<16xf32>
    %get3A_53 = arith.constant 16 : index
    %get3A_54 = tpu.vector_load %arg11[%get3A_53] {strides = array<i32>} : memref<128xf32, #tpu.memory_space<vmem>>, vector<16xf32>,
    %get3A_55 = vector.shape_cast %get3A_54 : vector<16xf32> to vector<16xf32>
    %get3A_56 = arith.constant 32 : index
    %get3A_57 = tpu.vector_load %arg11[%get3A_56] {strides = array<i32>} : memref<128xf32, #tpu.memory_space<vmem>>, vector<16xf32>,
    %get3A_58 = vector.shape_cast %get3A_57 : vector<16xf32> to vector<16xf32>
    %get3A_59 = arith.constant 48 : index
    %get3A_60 = tpu.vector_load %arg11[%get3A_59] {strides = array<i32>} : memref<128xf32, #tpu.memory_space<vmem>>, vector<16xf32>,
    %get3A_61 = vector.shape_cast %get3A_60 : vector<16xf32> to vector<16xf32>
    %get3A_62 = arith.constant 64 : index
    %get3A_63 = tpu.vector_load %arg11[%get3A_62] {strides = array<i32>} : memref<128xf32, #tpu.memory_space<vmem>>, vector<16xf32>,
    %get3A_64 = vector.shape_cast %get3A_63 : vector<16xf32> to vector<16xf32>
    %get3A_65 = arith.constant 80 : index
    %get3A_66 = tpu.vector_load %arg11[%get3A_65] {strides = array<i32>} : memref<128xf32, #tpu.memory_space<vmem>>, vector<16xf32>,
    %get3A_67 = vector.shape_cast %get3A_66 : vector<16xf32> to vector<16xf32>
    %get3A_68 = arith.constant 96 : index
    %get3A_69 = tpu.vector_load %arg11[%get3A_68] {strides = array<i32>} : memref<128xf32, #tpu.memory_space<vmem>>, vector<16xf32>,
    %get3A_70 = vector.shape_cast %get3A_69 : vector<16xf32> to vector<16xf32>
    %get3A_71 = arith.constant 112 : index
    %get3A_72 = tpu.vector_load %arg11[%get3A_71] {strides = array<i32>} : memref<128xf32, #tpu.memory_space<vmem>>, vector<16xf32>,
    %get3A_73 = vector.shape_cast %get3A_72 : vector<16xf32> to vector<16xf32>
    %get3A_74 = arith.constant 0 : index
    %get3A_75 = tpu.vector_load %arg12[%get3A_74] {strides = array<i32>} : memref<128xf32, #tpu.memory_space<vmem>>, vector<16xf32>,
    %get3A_76 = vector.shape_cast %get3A_75 : vector<16xf32> to vector<16xf32>
    %get3A_77 = arith.constant 16 : index
    %get3A_78 = tpu.vector_load %arg12[%get3A_77] {strides = array<i32>} : memref<128xf32, #tpu.memory_space<vmem>>, vector<16xf32>,
    %get3A_79 = vector.shape_cast %get3A_78 : vector<16xf32> to vector<16xf32>
    %get3A_80 = arith.constant 32 : index
    %get3A_81 = tpu.vector_load %arg12[%get3A_80] {strides = array<i32>} : memref<128xf32, #tpu.memory_space<vmem>>, vector<16xf32>,
    %get3A_82 = vector.shape_cast %get3A_81 : vector<16xf32> to vector<16xf32>
    %get3A_83 = arith.constant 48 : index
    %get3A_84 = tpu.vector_load %arg12[%get3A_83] {strides = array<i32>} : memref<128xf32, #tpu.memory_space<vmem>>, vector<16xf32>,
    %get3A_85 = vector.shape_cast %get3A_84 : vector<16xf32> to vector<16xf32>
    %get3A_86 = arith.constant 64 : index
    %get3A_87 = tpu.vector_load %arg12[%get3A_86] {strides = array<i32>} : memref<128xf32, #tpu.memory_space<vmem>>, vector<16xf32>,
    %get3A_88 = vector.shape_cast %get3A_87 : vector<16xf32> to vector<16xf32>
    %get3A_89 = arith.constant 80 : index
    %get3A_90 = tpu.vector_load %arg12[%get3A_89] {strides = array<i32>} : memref<128xf32, #tpu.memory_space<vmem>>, vector<16xf32>,
    %get3A_91 = vector.shape_cast %get3A_90 : vector<16xf32> to vector<16xf32>
    %get3A_92 = arith.constant 96 : index
    %get3A_93 = tpu.vector_load %arg12[%get3A_92] {strides = array<i32>} : memref<128xf32, #tpu.memory_space<vmem>>, vector<16xf32>,
    %get3A_94 = vector.shape_cast %get3A_93 : vector<16xf32> to vector<16xf32>
    %get3A_95 = arith.constant 112 : index
    %get3A_96 = tpu.vector_load %arg12[%get3A_95] {strides = array<i32>} : memref<128xf32, #tpu.memory_space<vmem>>, vector<16xf32>,
    %get3A_97 = vector.shape_cast %get3A_96 : vector<16xf32> to vector<16xf32>
    %scan3A = arith.constant 0 : i32
    %scan3A_98 = arith.constant 0 : i32
    %scan3A_99 = arith.constant 64 : i32
    %scan3A_100 = arith.addi %scan3A_98, %scan3A_99 : i32
    %scan3A_101 = arith.constant 1 : i32
    scf.for %scan3A_145 = %scan3A_98 to %scan3A_100 step %scan3A_101  : i32 {
      %get3A_146 = arith.index_cast %scan3A_145 : i32 to index
      %get3A_147 = arith.constant 0 : index
      %get3A_148 = tpu.vector_load %arg8[%get3A_146, %get3A_147] {strides = array<i32>} : memref<64x128xf32, #tpu.memory_space<vmem>>, vector<1x16xf32>,
      %get3A_149 = vector.shape_cast %get3A_148 : vector<1x16xf32> to vector<16xf32>
      %add3A_150 = arith.addf %get3A_149, %get3A_76 : vector<16xf32>
      %swap3A = arith.index_cast %scan3A_145 : i32 to index
      %swap3A_151 = arith.constant 0 : index
      %swap3A_152 = tpu.vector_load %arg8[%swap3A, %swap3A_151] {strides = array<i32>} : memref<64x128xf32, #tpu.memory_space<vmem>>, vector<1x16xf32>,
      %swap3A_153 = vector.shape_cast %swap3A_152 : vector<1x16xf32> to vector<16xf32>
      %swap3A_154 = vector.shape_cast %add3A_150 : vector<16xf32> to vector<1x16xf32>
      tpu.vector_store %arg8[%swap3A, %swap3A_151], %swap3A_154 {strides = array<i32>} : memref<64x128xf32, #tpu.memory_space<vmem>>, vector<1x16xf32>,
      %get3A_155 = arith.index_cast %scan3A_145 : i32 to index
      %get3A_156 = arith.constant 16 : index
      %get3A_157 = tpu.vector_load %arg8[%get3A_155, %get3A_156] {strides = array<i32>} : memref<64x128xf32, #tpu.memory_space<vmem>>, vector<1x16xf32>,
      %get3A_158 = vector.shape_cast %get3A_157 : vector<1x16xf32> to vector<16xf32>
      %add3A_159 = arith.addf %get3A_158, %get3A_79 : vector<16xf32>
      %swap3A_160 = arith.index_cast %scan3A_145 : i32 to index
      %swap3A_161 = arith.constant 16 : index
      %swap3A_162 = tpu.vector_load %arg8[%swap3A_160, %swap3A_161] {strides = array<i32>} : memref<64x128xf32, #tpu.memory_space<vmem>>, vector<1x16xf32>,
      %swap3A_163 = vector.shape_cast %swap3A_162 : vector<1x16xf32> to vector<16xf32>
      %swap3A_164 = vector.shape_cast %add3A_159 : vector<16xf32> to vector<1x16xf32>
      tpu.vector_store %arg8[%swap3A_160, %swap3A_161], %swap3A_164 {strides = array<i32>} : memref<64x128xf32, #tpu.memory_space<vmem>>, vector<1x16xf32>,
      %get3A_165 = arith.index_cast %scan3A_145 : i32 to index
      %get3A_166 = arith.constant 32 : index
      %get3A_167 = tpu.vector_load %arg8[%get3A_165, %get3A_166] {strides = array<i32>} : memref<64x128xf32, #tpu.memory_space<vmem>>, vector<1x16xf32>,
      %get3A_168 = vector.shape_cast %get3A_167 : vector<1x16xf32> to vector<16xf32>
      %add3A_169 = arith.addf %get3A_168, %get3A_82 : vector<16xf32>
      %swap3A_170 = arith.index_cast %scan3A_145 : i32 to index
      %swap3A_171 = arith.constant 32 : index
      %swap3A_172 = tpu.vector_load %arg8[%swap3A_170, %swap3A_171] {strides = array<i32>} : memref<64x128xf32, #tpu.memory_space<vmem>>, vector<1x16xf32>,
      %swap3A_173 = vector.shape_cast %swap3A_172 : vector<1x16xf32> to vector<16xf32>
      %swap3A_174 = vector.shape_cast %add3A_169 : vector<16xf32> to vector<1x16xf32>
      tpu.vector_store %arg8[%swap3A_170, %swap3A_171], %swap3A_174 {strides = array<i32>} : memref<64x128xf32, #tpu.memory_space<vmem>>, vector<1x16xf32>,
      %get3A_175 = arith.index_cast %scan3A_145 : i32 to index
      %get3A_176 = arith.constant 48 : index
      %get3A_177 = tpu.vector_load %arg8[%get3A_175, %get3A_176] {strides = array<i32>} : memref<64x128xf32, #tpu.memory_space<vmem>>, vector<1x16xf32>,
      %get3A_178 = vector.shape_cast %get3A_177 : vector<1x16xf32> to vector<16xf32>
      %add3A_179 = arith.addf %get3A_178, %get3A_85 : vector<16xf32>
      %swap3A_180 = arith.index_cast %scan3A_145 : i32 to index
      %swap3A_181 = arith.constant 48 : index
      %swap3A_182 = tpu.vector_load %arg8[%swap3A_180, %swap3A_181] {strides = array<i32>} : memref<64x128xf32, #tpu.memory_space<vmem>>, vector<1x16xf32>,
      %swap3A_183 = vector.shape_cast %swap3A_182 : vector<1x16xf32> to vector<16xf32>
      %swap3A_184 = vector.shape_cast %add3A_179 : vector<16xf32> to vector<1x16xf32>
      tpu.vector_store %arg8[%swap3A_180, %swap3A_181], %swap3A_184 {strides = array<i32>} : memref<64x128xf32, #tpu.memory_space<vmem>>, vector<1x16xf32>,
      %get3A_185 = arith.index_cast %scan3A_145 : i32 to index
      %get3A_186 = arith.constant 64 : index
      %get3A_187 = tpu.vector_load %arg8[%get3A_185, %get3A_186] {strides = array<i32>} : memref<64x128xf32, #tpu.memory_space<vmem>>, vector<1x16xf32>,
      %get3A_188 = vector.shape_cast %get3A_187 : vector<1x16xf32> to vector<16xf32>
      %add3A_189 = arith.addf %get3A_188, %get3A_88 : vector<16xf32>
      %swap3A_190 = arith.index_cast %scan3A_145 : i32 to index
      %swap3A_191 = arith.constant 64 : index
      %swap3A_192 = tpu.vector_load %arg8[%swap3A_190, %swap3A_191] {strides = array<i32>} : memref<64x128xf32, #tpu.memory_space<vmem>>, vector<1x16xf32>,
      %swap3A_193 = vector.shape_cast %swap3A_192 : vector<1x16xf32> to vector<16xf32>
      %swap3A_194 = vector.shape_cast %add3A_189 : vector<16xf32> to vector<1x16xf32>
      tpu.vector_store %arg8[%swap3A_190, %swap3A_191], %swap3A_194 {strides = array<i32>} : memref<64x128xf32, #tpu.memory_space<vmem>>, vector<1x16xf32>,
      %get3A_195 = arith.index_cast %scan3A_145 : i32 to index
      %get3A_196 = arith.constant 80 : index
      %get3A_197 = tpu.vector_load %arg8[%get3A_195, %get3A_196] {strides = array<i32>} : memref<64x128xf32, #tpu.memory_space<vmem>>, vector<1x16xf32>,
      %get3A_198 = vector.shape_cast %get3A_197 : vector<1x16xf32> to vector<16xf32>
      %add3A_199 = arith.addf %get3A_198, %get3A_91 : vector<16xf32>
      %swap3A_200 = arith.index_cast %scan3A_145 : i32 to index
      %swap3A_201 = arith.constant 80 : index
      %swap3A_202 = tpu.vector_load %arg8[%swap3A_200, %swap3A_201] {strides = array<i32>} : memref<64x128xf32, #tpu.memory_space<vmem>>, vector<1x16xf32>,
      %swap3A_203 = vector.shape_cast %swap3A_202 : vector<1x16xf32> to vector<16xf32>
      %swap3A_204 = vector.shape_cast %add3A_199 : vector<16xf32> to vector<1x16xf32>
      tpu.vector_store %arg8[%swap3A_200, %swap3A_201], %swap3A_204 {strides = array<i32>} : memref<64x128xf32, #tpu.memory_space<vmem>>, vector<1x16xf32>,
      %get3A_205 = arith.index_cast %scan3A_145 : i32 to index
      %get3A_206 = arith.constant 96 : index
      %get3A_207 = tpu.vector_load %arg8[%get3A_205, %get3A_206] {strides = array<i32>} : memref<64x128xf32, #tpu.memory_space<vmem>>, vector<1x16xf32>,
      %get3A_208 = vector.shape_cast %get3A_207 : vector<1x16xf32> to vector<16xf32>
      %add3A_209 = arith.addf %get3A_208, %get3A_94 : vector<16xf32>
      %swap3A_210 = arith.index_cast %scan3A_145 : i32 to index
      %swap3A_211 = arith.constant 96 : index
      %swap3A_212 = tpu.vector_load %arg8[%swap3A_210, %swap3A_211] {strides = array<i32>} : memref<64x128xf32, #tpu.memory_space<vmem>>, vector<1x16xf32>,
      %swap3A_213 = vector.shape_cast %swap3A_212 : vector<1x16xf32> to vector<16xf32>
      %swap3A_214 = vector.shape_cast %add3A_209 : vector<16xf32> to vector<1x16xf32>
      tpu.vector_store %arg8[%swap3A_210, %swap3A_211], %swap3A_214 {strides = array<i32>} : memref<64x128xf32, #tpu.memory_space<vmem>>, vector<1x16xf32>,
      %get3A_215 = arith.index_cast %scan3A_145 : i32 to index
      %get3A_216 = arith.constant 112 : index
      %get3A_217 = tpu.vector_load %arg8[%get3A_215, %get3A_216] {strides = array<i32>} : memref<64x128xf32, #tpu.memory_space<vmem>>, vector<1x16xf32>,
      %get3A_218 = vector.shape_cast %get3A_217 : vector<1x16xf32> to vector<16xf32>
      %add3A_219 = arith.addf %get3A_218, %get3A_97 : vector<16xf32>
      %swap3A_220 = arith.index_cast %scan3A_145 : i32 to index
      %swap3A_221 = arith.constant 112 : index
      %swap3A_222 = tpu.vector_load %arg8[%swap3A_220, %swap3A_221] {strides = array<i32>} : memref<64x128xf32, #tpu.memory_space<vmem>>, vector<1x16xf32>,
      %swap3A_223 = vector.shape_cast %swap3A_222 : vector<1x16xf32> to vector<16xf32>
      %swap3A_224 = vector.shape_cast %add3A_219 : vector<16xf32> to vector<1x16xf32>
      tpu.vector_store %arg8[%swap3A_220, %swap3A_221], %swap3A_224 {strides = array<i32>} : memref<64x128xf32, #tpu.memory_space<vmem>>, vector<1x16xf32>,
    }
    %scan3A_102 = arith.constant 64 : i32
    %scan3A_103 = arith.constant 0 : i32
    %scan3A_104 = arith.constant 0 : i32
    %scan3A_105 = arith.constant 32 : i32
    %scan3A_106 = arith.addi %scan3A_104, %scan3A_105 : i32
    %scan3A_107 = arith.constant 1 : i32
    scf.for %scan3A_145 = %scan3A_104 to %scan3A_106 step %scan3A_107  : i32 {
      %mul3A_146 = arith.constant 4 : i32
      %mul3A_147 = arith.muli %mul3A_146, %scan3A_145 : i32
      %add3A_148 = arith.constant 0 : i32
      %add3A_149 = arith.addi %mul3A_147, %add3A_148 : i32
      %mul3A_150 = arith.constant 4 : i32
      %mul3A_151 = arith.muli %mul3A_150, %scan3A_145 : i32
      %add3A_152 = arith.constant 0 : i32
      %add3A_153 = arith.addi %mul3A_151, %add3A_152 : i32
      %ge3A = arith.constant 4 : i32
      %ge3A_154 = arith.cmpi sge, %add3A_153, %ge3A : i32
      %convert_element_type3A = arith.extui %ge3A_154 : i1 to i32
      %cond3A = arith.constant 0 : i32
      %cond3A_155 = arith.cmpi ne, %convert_element_type3A, %cond3A : i32
      scf.if %cond3A_155 {
        %dma_wait3A_377 = arith.constant 0 : i32
        %dma_wait3A_378 = arith.constant 0 : i32
        %dma_wait3A_379 = arith.constant 0 : i32
        %dma_wait3A_380 = arith.constant 0 : i32
        %dma_wait3A_381 = tpu.memref_slice %arg13[%dma_wait3A_377, %dma_wait3A_379, %dma_wait3A_380] : memref<2x128x128xf32, #tpu.memory_space<vmem>> -> memref<1x128x128xf32, #tpu.memory_space<vmem>>
        %dma_wait3A_382 = tpu.memref_squeeze %dma_wait3A_381 : memref<1x128x128xf32, #tpu.memory_space<vmem>> -> memref<128x128xf32, #tpu.memory_space<vmem>>
        %dma_wait3A_383 = arith.constant 0 : i32
        %dma_wait3A_384 = arith.constant 0 : i32
        %dma_wait3A_385 = tpu.memref_slice %arg7[%dma_wait3A_378, %dma_wait3A_383, %dma_wait3A_384] : memref<4x65536x128xf32, #tpu.memory_space<hbm>> -> memref<1x128x128xf32, #tpu.memory_space<hbm>>
        %dma_wait3A_386 = tpu.memref_squeeze %dma_wait3A_385 : memref<1x128x128xf32, #tpu.memory_space<hbm>> -> memref<128x128xf32, #tpu.memory_space<hbm>>
        %dma_wait3A_387 = arith.constant 0 : i32
        %dma_wait3A_388 = arith.constant 0 : i32
        %dma_wait3A_389 = tpu.memref_slice %arg7[%dma_wait3A_378, %dma_wait3A_387, %dma_wait3A_388] : memref<4x65536x128xf32, #tpu.memory_space<hbm>> -> memref<1x128x128xf32, #tpu.memory_space<hbm>>
        %dma_wait3A_390 = tpu.memref_squeeze %dma_wait3A_389 : memref<1x128x128xf32, #tpu.memory_space<hbm>> -> memref<128x128xf32, #tpu.memory_space<hbm>>
        %dma_wait3A_391 = arith.constant 0 : i32
        %dma_wait3A_392 = arith.constant 0 : i32
        %dma_wait3A_393 = tpu.memref_slice %arg13[%dma_wait3A_377, %dma_wait3A_391, %dma_wait3A_392] : memref<2x128x128xf32, #tpu.memory_space<vmem>> -> memref<1x128x128xf32, #tpu.memory_space<vmem>>
        %dma_wait3A_394 = tpu.memref_squeeze %dma_wait3A_393 : memref<1x128x128xf32, #tpu.memory_space<vmem>> -> memref<128x128xf32, #tpu.memory_space<vmem>>
        tpu.wait_dma2 semaphore(%arg14 : memref<!tpu.dma_semaphore, #tpu.memory_space<semaphore_mem>>) src(%dma_wait3A_394 : memref<128x128xf32, #tpu.memory_space<vmem>>) dst(%dma_wait3A_390 : memref<128x128xf32, #tpu.memory_space<hbm>>)
      } else {
      }
      %get3A_156 = arith.index_cast %add3A_149 : i32 to index
      %get3A_157 = arith.constant 0 : index
      %get3A_158 = tpu.vector_load %arg9[%get3A_156, %get3A_157] {strides = array<i32>} : memref<128x128xf32, #tpu.memory_space<vmem>>, vector<1x16xf32>,
      %get3A_159 = vector.shape_cast %get3A_158 : vector<1x16xf32> to vector<16xf32>
      %get3A_160 = arith.index_cast %add3A_149 : i32 to index
      %get3A_161 = arith.constant 16 : index
      %get3A_162 = tpu.vector_load %arg9[%get3A_160, %get3A_161] {strides = array<i32>} : memref<128x128xf32, #tpu.memory_space<vmem>>, vector<1x16xf32>,
      %get3A_163 = vector.shape_cast %get3A_162 : vector<1x16xf32> to vector<16xf32>
      %get3A_164 = arith.index_cast %add3A_149 : i32 to index
      %get3A_165 = arith.constant 32 : index
      %get3A_166 = tpu.vector_load %arg9[%get3A_164, %get3A_165] {strides = array<i32>} : memref<128x128xf32, #tpu.memory_space<vmem>>, vector<1x16xf32>,
      %get3A_167 = vector.shape_cast %get3A_166 : vector<1x16xf32> to vector<16xf32>
      %get3A_168 = arith.index_cast %add3A_149 : i32 to index
      %get3A_169 = arith.constant 48 : index
      %get3A_170 = tpu.vector_load %arg9[%get3A_168, %get3A_169] {strides = array<i32>} : memref<128x128xf32, #tpu.memory_space<vmem>>, vector<1x16xf32>,
      %get3A_171 = vector.shape_cast %get3A_170 : vector<1x16xf32> to vector<16xf32>
      %get3A_172 = arith.index_cast %add3A_149 : i32 to index
      %get3A_173 = arith.constant 64 : index
      %get3A_174 = tpu.vector_load %arg9[%get3A_172, %get3A_173] {strides = array<i32>} : memref<128x128xf32, #tpu.memory_space<vmem>>, vector<1x16xf32>,
      %get3A_175 = vector.shape_cast %get3A_174 : vector<1x16xf32> to vector<16xf32>
      %get3A_176 = arith.index_cast %add3A_149 : i32 to index
      %get3A_177 = arith.constant 80 : index
      %get3A_178 = tpu.vector_load %arg9[%get3A_176, %get3A_177] {strides = array<i32>} : memref<128x128xf32, #tpu.memory_space<vmem>>, vector<1x16xf32>,
      %get3A_179 = vector.shape_cast %get3A_178 : vector<1x16xf32> to vector<16xf32>
      %get3A_180 = arith.index_cast %add3A_149 : i32 to index
      %get3A_181 = arith.constant 96 : index
      %get3A_182 = tpu.vector_load %arg9[%get3A_180, %get3A_181] {strides = array<i32>} : memref<128x128xf32, #tpu.memory_space<vmem>>, vector<1x16xf32>,
      %get3A_183 = vector.shape_cast %get3A_182 : vector<1x16xf32> to vector<16xf32>
      %get3A_184 = arith.index_cast %add3A_149 : i32 to index
      %get3A_185 = arith.constant 112 : index
      %get3A_186 = tpu.vector_load %arg9[%get3A_184, %get3A_185] {strides = array<i32>} : memref<128x128xf32, #tpu.memory_space<vmem>>, vector<1x16xf32>,
      %get3A_187 = vector.shape_cast %get3A_186 : vector<1x16xf32> to vector<16xf32>
      %add3A_188 = arith.constant 1 : i32
      %add3A_189 = arith.addi %add3A_149, %add3A_188 : i32
      %get3A_190 = arith.index_cast %add3A_189 : i32 to index
      %get3A_191 = arith.constant 0 : index
      %get3A_192 = tpu.vector_load %arg9[%get3A_190, %get3A_191] {strides = array<i32>} : memref<128x128xf32, #tpu.memory_space<vmem>>, vector<1x16xf32>,
      %get3A_193 = vector.shape_cast %get3A_192 : vector<1x16xf32> to vector<16xf32>
      %add3A_194 = arith.constant 1 : i32
      %add3A_195 = arith.addi %add3A_149, %add3A_194 : i32
      %get3A_196 = arith.index_cast %add3A_195 : i32 to index
      %get3A_197 = arith.constant 16 : index
      %get3A_198 = tpu.vector_load %arg9[%get3A_196, %get3A_197] {strides = array<i32>} : memref<128x128xf32, #tpu.memory_space<vmem>>, vector<1x16xf32>,
      %get3A_199 = vector.shape_cast %get3A_198 : vector<1x16xf32> to vector<16xf32>
      %add3A_200 = arith.constant 1 : i32
      %add3A_201 = arith.addi %add3A_149, %add3A_200 : i32
      %get3A_202 = arith.index_cast %add3A_201 : i32 to index
      %get3A_203 = arith.constant 32 : index
      %get3A_204 = tpu.vector_load %arg9[%get3A_202, %get3A_203] {strides = array<i32>} : memref<128x128xf32, #tpu.memory_space<vmem>>, vector<1x16xf32>,
      %get3A_205 = vector.shape_cast %get3A_204 : vector<1x16xf32> to vector<16xf32>
      %add3A_206 = arith.constant 1 : i32
      %add3A_207 = arith.addi %add3A_149, %add3A_206 : i32
      %get3A_208 = arith.index_cast %add3A_207 : i32 to index
      %get3A_209 = arith.constant 48 : index
      %get3A_210 = tpu.vector_load %arg9[%get3A_208, %get3A_209] {strides = array<i32>} : memref<128x128xf32, #tpu.memory_space<vmem>>, vector<1x16xf32>,
      %get3A_211 = vector.shape_cast %get3A_210 : vector<1x16xf32> to vector<16xf32>
      %add3A_212 = arith.constant 1 : i32
      %add3A_213 = arith.addi %add3A_149, %add3A_212 : i32
      %get3A_214 = arith.index_cast %add3A_213 : i32 to index
      %get3A_215 = arith.constant 64 : index
      %get3A_216 = tpu.vector_load %arg9[%get3A_214, %get3A_215] {strides = array<i32>} : memref<128x128xf32, #tpu.memory_space<vmem>>, vector<1x16xf32>,
      %get3A_217 = vector.shape_cast %get3A_216 : vector<1x16xf32> to vector<16xf32>
      %add3A_218 = arith.constant 1 : i32
      %add3A_219 = arith.addi %add3A_149, %add3A_218 : i32
      %get3A_220 = arith.index_cast %add3A_219 : i32 to index
      %get3A_221 = arith.constant 80 : index
      %get3A_222 = tpu.vector_load %arg9[%get3A_220, %get3A_221] {strides = array<i32>} : memref<128x128xf32, #tpu.memory_space<vmem>>, vector<1x16xf32>,
      %get3A_223 = vector.shape_cast %get3A_222 : vector<1x16xf32> to vector<16xf32>
      %add3A_224 = arith.constant 1 : i32
      %add3A_225 = arith.addi %add3A_149, %add3A_224 : i32
      %get3A_226 = arith.index_cast %add3A_225 : i32 to index
      %get3A_227 = arith.constant 96 : index
      %get3A_228 = tpu.vector_load %arg9[%get3A_226, %get3A_227] {strides = array<i32>} : memref<128x128xf32, #tpu.memory_space<vmem>>, vector<1x16xf32>,
      %get3A_229 = vector.shape_cast %get3A_228 : vector<1x16xf32> to vector<16xf32>
      %add3A_230 = arith.constant 1 : i32
      %add3A_231 = arith.addi %add3A_149, %add3A_230 : i32
      %get3A_232 = arith.index_cast %add3A_231 : i32 to index
      %get3A_233 = arith.constant 112 : index
      %get3A_234 = tpu.vector_load %arg9[%get3A_232, %get3A_233] {strides = array<i32>} : memref<128x128xf32, #tpu.memory_space<vmem>>, vector<1x16xf32>,
      %get3A_235 = vector.shape_cast %get3A_234 : vector<1x16xf32> to vector<16xf32>
      %iota3A = tpu.iota {dimensions = array<i32: 0>} : vector<16xi32>
      %mul3A_236 = arith.constant 0 : i32
      %mul3A_237 = vector.broadcast %mul3A_236 : i32 to vector<16xi32>
      %mul3A_238 = arith.muli %iota3A, %mul3A_237 : vector<16xi32>
      %parallel_loop3A = arith.constant 0 : i32
      %parallel_loop3A_239 = arith.constant 64 : i32
      %parallel_loop3A_240 = arith.constant 1 : i32
      scf.for %parallel_loop3A_377 = %parallel_loop3A to %parallel_loop3A_239 step %parallel_loop3A_240  : i32 {
        %parallel_loop3A_378 = arith.constant 16 : i32
        %parallel_loop3A_379 = arith.divsi %parallel_loop3A_377, %parallel_loop3A_378 : i32
        %parallel_loop3A_380 = arith.constant 0 : i32
        %parallel_loop3A_381 = arith.cmpi sgt, %parallel_loop3A_377, %parallel_loop3A_380 : i32
        %parallel_loop3A_382 = arith.extui %parallel_loop3A_381 : i1 to i32
        %parallel_loop3A_383 = arith.constant 0 : i32
        %parallel_loop3A_384 = arith.cmpi slt, %parallel_loop3A_377, %parallel_loop3A_383 : i32
        %parallel_loop3A_385 = arith.extui %parallel_loop3A_384 : i1 to i32
        %parallel_loop3A_386 = arith.subi %parallel_loop3A_382, %parallel_loop3A_385 : i32
        %parallel_loop3A_387 = arith.constant 0 : i32
        %parallel_loop3A_388 = arith.cmpi sgt, %parallel_loop3A_378, %parallel_loop3A_387 : i32
        %parallel_loop3A_389 = arith.extui %parallel_loop3A_388 : i1 to i32
        %parallel_loop3A_390 = arith.constant 0 : i32
        %parallel_loop3A_391 = arith.cmpi slt, %parallel_loop3A_378, %parallel_loop3A_390 : i32
        %parallel_loop3A_392 = arith.extui %parallel_loop3A_391 : i1 to i32
        %parallel_loop3A_393 = arith.subi %parallel_loop3A_389, %parallel_loop3A_392 : i32
        %parallel_loop3A_394 = arith.cmpi ne, %parallel_loop3A_386, %parallel_loop3A_393 : i32
        %parallel_loop3A_395 = arith.remsi %parallel_loop3A_377, %parallel_loop3A_378 : i32
        %parallel_loop3A_396 = arith.constant 0 : i32
        %parallel_loop3A_397 = arith.cmpi ne, %parallel_loop3A_395, %parallel_loop3A_396 : i32
        %parallel_loop3A_398 = arith.andi %parallel_loop3A_394, %parallel_loop3A_397 : i1
        %parallel_loop3A_399 = arith.constant 1 : i32
        %parallel_loop3A_400 = arith.subi %parallel_loop3A_379, %parallel_loop3A_399 : i32
        %parallel_loop3A_401 = arith.select %parallel_loop3A_398, %parallel_loop3A_400, %parallel_loop3A_379 : i32
        %parallel_loop3A_402 = arith.constant 16 : i32
        %parallel_loop3A_403 = arith.muli %parallel_loop3A_401, %parallel_loop3A_402 : i32
        %parallel_loop3A_404 = arith.constant 16 : i32
        %parallel_loop3A_405 = arith.constant 0 : i32
        %parallel_loop3A_406 = arith.cmpi eq, %parallel_loop3A_404, %parallel_loop3A_405 : i32
        %parallel_loop3A_407 = arith.constant 1 : i32
        %parallel_loop3A_408 = arith.select %parallel_loop3A_406, %parallel_loop3A_407, %parallel_loop3A_404 : i32
        %parallel_loop3A_409 = arith.remsi %parallel_loop3A_377, %parallel_loop3A_408 : i32
        %parallel_loop3A_410 = arith.constant 0 : i32
        %parallel_loop3A_411 = arith.cmpi ne, %parallel_loop3A_409, %parallel_loop3A_410 : i32
        %parallel_loop3A_412 = arith.constant 0 : i32
        %parallel_loop3A_413 = arith.cmpi slt, %parallel_loop3A_409, %parallel_loop3A_412 : i32
        %parallel_loop3A_414 = arith.constant 0 : i32
        %parallel_loop3A_415 = arith.cmpi slt, %parallel_loop3A_408, %parallel_loop3A_414 : i32
        %parallel_loop3A_416 = arith.xori %parallel_loop3A_413, %parallel_loop3A_415 : i1
        %parallel_loop3A_417 = arith.andi %parallel_loop3A_416, %parallel_loop3A_411 : i1
        %parallel_loop3A_418 = arith.addi %parallel_loop3A_409, %parallel_loop3A_408 : i32
        %parallel_loop3A_419 = arith.select %parallel_loop3A_417, %parallel_loop3A_418, %parallel_loop3A_409 : i32
        %parallel_loop3A_420 = vector.broadcast %parallel_loop3A_419 : i32 to vector<16xi32>
        %parallel_loop3A_421 = arith.addi %mul3A_238, %parallel_loop3A_420 : vector<16xi32>
        %parallel_loop3A_422 = arith.index_cast %add3A_149 : i32 to index
        %parallel_loop3A_423 = arith.index_cast %parallel_loop3A_403 : i32 to index
        %parallel_loop3A_424 = tpu.vector_load %arg10[%parallel_loop3A_422, %parallel_loop3A_423] {strides = array<i32>} : memref<128x64xf32, #tpu.memory_space<vmem>>, vector<1x16xf32>,
        %parallel_loop3A_425 = vector.shape_cast %parallel_loop3A_424 : vector<1x16xf32> to vector<16xf32>
        %parallel_loop3A_426 = vector.shape_cast %parallel_loop3A_421 : vector<16xi32> to vector<16x1xi32>
        %parallel_loop3A_427 = vector.shape_cast %parallel_loop3A_426 : vector<16x1xi32> to vector<16xi32>
        %parallel_loop3A_428 = tpu.dynamic_gather %parallel_loop3A_425[%parallel_loop3A_427] in [0] : vector<16xf32>, vector<16xi32> -> vector<16xf32>
        %parallel_loop3A_429 = arith.constant 1 : i32
        %parallel_loop3A_430 = arith.addi %add3A_149, %parallel_loop3A_429 : i32
        %parallel_loop3A_431 = arith.index_cast %parallel_loop3A_430 : i32 to index
        %parallel_loop3A_432 = arith.index_cast %parallel_loop3A_403 : i32 to index
        %parallel_loop3A_433 = tpu.vector_load %arg10[%parallel_loop3A_431, %parallel_loop3A_432] {strides = array<i32>} : memref<128x64xf32, #tpu.memory_space<vmem>>, vector<1x16xf32>,
        %parallel_loop3A_434 = vector.shape_cast %parallel_loop3A_433 : vector<1x16xf32> to vector<16xf32>
        %parallel_loop3A_435 = vector.shape_cast %parallel_loop3A_421 : vector<16xi32> to vector<16x1xi32>
        %parallel_loop3A_436 = vector.shape_cast %parallel_loop3A_435 : vector<16x1xi32> to vector<16xi32>
        %parallel_loop3A_437 = tpu.dynamic_gather %parallel_loop3A_434[%parallel_loop3A_436] in [0] : vector<16xf32>, vector<16xi32> -> vector<16xf32>
        %parallel_loop3A_438 = arith.index_cast %parallel_loop3A_377 : i32 to index
        %parallel_loop3A_439 = arith.constant 0 : index
        %parallel_loop3A_440 = tpu.vector_load %arg8[%parallel_loop3A_438, %parallel_loop3A_439] {strides = array<i32>} : memref<64x128xf32, #tpu.memory_space<vmem>>, vector<1x16xf32>,
        %parallel_loop3A_441 = vector.shape_cast %parallel_loop3A_440 : vector<1x16xf32> to vector<16xf32>
        %parallel_loop3A_442 = arith.addf %get3A_159, %parallel_loop3A_441 : vector<16xf32>
        %parallel_loop3A_443 = arith.mulf %parallel_loop3A_428, %get3A_52 : vector<16xf32>
        %parallel_loop3A_444 = arith.addf %parallel_loop3A_442, %parallel_loop3A_443 : vector<16xf32>
        %parallel_loop3A_445 = arith.constant 0 : i32
        %parallel_loop3A_446 = arith.index_cast %parallel_loop3A_445 : i32 to index
        %parallel_loop3A_447 = arith.index_cast %parallel_loop3A_377 : i32 to index
        %parallel_loop3A_448 = arith.constant 0 : index
        %parallel_loop3A_449 = tpu.vector_load %arg13[%parallel_loop3A_446, %parallel_loop3A_447, %parallel_loop3A_448] {strides = array<i32>} : memref<2x128x128xf32, #tpu.memory_space<vmem>>, vector<1x1x16xf32>,
        %parallel_loop3A_450 = vector.shape_cast %parallel_loop3A_449 : vector<1x1x16xf32> to vector<16xf32>
        %parallel_loop3A_451 = vector.shape_cast %parallel_loop3A_444 : vector<16xf32> to vector<1x1x16xf32>
        tpu.vector_store %arg13[%parallel_loop3A_446, %parallel_loop3A_447, %parallel_loop3A_448], %parallel_loop3A_451 {strides = array<i32>} : memref<2x128x128xf32, #tpu.memory_space<vmem>>, vector<1x1x16xf32>,
        %parallel_loop3A_452 = arith.addf %get3A_193, %parallel_loop3A_441 : vector<16xf32>
        %parallel_loop3A_453 = arith.mulf %parallel_loop3A_437, %get3A_52 : vector<16xf32>
        %parallel_loop3A_454 = arith.addf %parallel_loop3A_452, %parallel_loop3A_453 : vector<16xf32>
        %parallel_loop3A_455 = arith.constant 64 : i32
        %parallel_loop3A_456 = arith.addi %parallel_loop3A_455, %parallel_loop3A_377 : i32
        %parallel_loop3A_457 = arith.constant 0 : i32
        %parallel_loop3A_458 = arith.index_cast %parallel_loop3A_457 : i32 to index
        %parallel_loop3A_459 = arith.index_cast %parallel_loop3A_456 : i32 to index
        %parallel_loop3A_460 = arith.constant 0 : index
        %parallel_loop3A_461 = tpu.vector_load %arg13[%parallel_loop3A_458, %parallel_loop3A_459, %parallel_loop3A_460] {strides = array<i32>} : memref<2x128x128xf32, #tpu.memory_space<vmem>>, vector<1x1x16xf32>,
        %parallel_loop3A_462 = vector.shape_cast %parallel_loop3A_461 : vector<1x1x16xf32> to vector<16xf32>
        %parallel_loop3A_463 = vector.shape_cast %parallel_loop3A_454 : vector<16xf32> to vector<1x1x16xf32>
        tpu.vector_store %arg13[%parallel_loop3A_458, %parallel_loop3A_459, %parallel_loop3A_460], %parallel_loop3A_463 {strides = array<i32>} : memref<2x128x128xf32, #tpu.memory_space<vmem>>, vector<1x1x16xf32>,
        %parallel_loop3A_464 = arith.index_cast %parallel_loop3A_377 : i32 to index
        %parallel_loop3A_465 = arith.constant 16 : index
        %parallel_loop3A_466 = tpu.vector_load %arg8[%parallel_loop3A_464, %parallel_loop3A_465] {strides = array<i32>} : memref<64x128xf32, #tpu.memory_space<vmem>>, vector<1x16xf32>,
        %parallel_loop3A_467 = vector.shape_cast %parallel_loop3A_466 : vector<1x16xf32> to vector<16xf32>
        %parallel_loop3A_468 = arith.addf %get3A_163, %parallel_loop3A_467 : vector<16xf32>
        %parallel_loop3A_469 = arith.mulf %parallel_loop3A_428, %get3A_55 : vector<16xf32>
        %parallel_loop3A_470 = arith.addf %parallel_loop3A_468, %parallel_loop3A_469 : vector<16xf32>
        %parallel_loop3A_471 = arith.constant 0 : i32
        %parallel_loop3A_472 = arith.index_cast %parallel_loop3A_471 : i32 to index
        %parallel_loop3A_473 = arith.index_cast %parallel_loop3A_377 : i32 to index
        %parallel_loop3A_474 = arith.constant 16 : index
        %parallel_loop3A_475 = tpu.vector_load %arg13[%parallel_loop3A_472, %parallel_loop3A_473, %parallel_loop3A_474] {strides = array<i32>} : memref<2x128x128xf32, #tpu.memory_space<vmem>>, vector<1x1x16xf32>,
        %parallel_loop3A_476 = vector.shape_cast %parallel_loop3A_475 : vector<1x1x16xf32> to vector<16xf32>
        %parallel_loop3A_477 = vector.shape_cast %parallel_loop3A_470 : vector<16xf32> to vector<1x1x16xf32>
        tpu.vector_store %arg13[%parallel_loop3A_472, %parallel_loop3A_473, %parallel_loop3A_474], %parallel_loop3A_477 {strides = array<i32>} : memref<2x128x128xf32, #tpu.memory_space<vmem>>, vector<1x1x16xf32>,
        %parallel_loop3A_478 = arith.addf %get3A_199, %parallel_loop3A_467 : vector<16xf32>
        %parallel_loop3A_479 = arith.mulf %parallel_loop3A_437, %get3A_55 : vector<16xf32>
        %parallel_loop3A_480 = arith.addf %parallel_loop3A_478, %parallel_loop3A_479 : vector<16xf32>
        %parallel_loop3A_481 = arith.constant 64 : i32
        %parallel_loop3A_482 = arith.addi %parallel_loop3A_481, %parallel_loop3A_377 : i32
        %parallel_loop3A_483 = arith.constant 0 : i32
        %parallel_loop3A_484 = arith.index_cast %parallel_loop3A_483 : i32 to index
        %parallel_loop3A_485 = arith.index_cast %parallel_loop3A_482 : i32 to index
        %parallel_loop3A_486 = arith.constant 16 : index
        %parallel_loop3A_487 = tpu.vector_load %arg13[%parallel_loop3A_484, %parallel_loop3A_485, %parallel_loop3A_486] {strides = array<i32>} : memref<2x128x128xf32, #tpu.memory_space<vmem>>, vector<1x1x16xf32>,
        %parallel_loop3A_488 = vector.shape_cast %parallel_loop3A_487 : vector<1x1x16xf32> to vector<16xf32>
        %parallel_loop3A_489 = vector.shape_cast %parallel_loop3A_480 : vector<16xf32> to vector<1x1x16xf32>
        tpu.vector_store %arg13[%parallel_loop3A_484, %parallel_loop3A_485, %parallel_loop3A_486], %parallel_loop3A_489 {strides = array<i32>} : memref<2x128x128xf32, #tpu.memory_space<vmem>>, vector<1x1x16xf32>,
        %parallel_loop3A_490 = arith.index_cast %parallel_loop3A_377 : i32 to index
        %parallel_loop3A_491 = arith.constant 32 : index
        %parallel_loop3A_492 = tpu.vector_load %arg8[%parallel_loop3A_490, %parallel_loop3A_491] {strides = array<i32>} : memref<64x128xf32, #tpu.memory_space<vmem>>, vector<1x16xf32>,
        %parallel_loop3A_493 = vector.shape_cast %parallel_loop3A_492 : vector<1x16xf32> to vector<16xf32>
        %parallel_loop3A_494 = arith.addf %get3A_167, %parallel_loop3A_493 : vector<16xf32>
        %parallel_loop3A_495 = arith.mulf %parallel_loop3A_428, %get3A_58 : vector<16xf32>
        %parallel_loop3A_496 = arith.addf %parallel_loop3A_494, %parallel_loop3A_495 : vector<16xf32>
        %parallel_loop3A_497 = arith.constant 0 : i32
        %parallel_loop3A_498 = arith.index_cast %parallel_loop3A_497 : i32 to index
        %parallel_loop3A_499 = arith.index_cast %parallel_loop3A_377 : i32 to index
        %parallel_loop3A_500 = arith.constant 32 : index
        %parallel_loop3A_501 = tpu.vector_load %arg13[%parallel_loop3A_498, %parallel_loop3A_499, %parallel_loop3A_500] {strides = array<i32>} : memref<2x128x128xf32, #tpu.memory_space<vmem>>, vector<1x1x16xf32>,
        %parallel_loop3A_502 = vector.shape_cast %parallel_loop3A_501 : vector<1x1x16xf32> to vector<16xf32>
        %parallel_loop3A_503 = vector.shape_cast %parallel_loop3A_496 : vector<16xf32> to vector<1x1x16xf32>
        tpu.vector_store %arg13[%parallel_loop3A_498, %parallel_loop3A_499, %parallel_loop3A_500], %parallel_loop3A_503 {strides = array<i32>} : memref<2x128x128xf32, #tpu.memory_space<vmem>>, vector<1x1x16xf32>,
        %parallel_loop3A_504 = arith.addf %get3A_205, %parallel_loop3A_493 : vector<16xf32>
        %parallel_loop3A_505 = arith.mulf %parallel_loop3A_437, %get3A_58 : vector<16xf32>
        %parallel_loop3A_506 = arith.addf %parallel_loop3A_504, %parallel_loop3A_505 : vector<16xf32>
        %parallel_loop3A_507 = arith.constant 64 : i32
        %parallel_loop3A_508 = arith.addi %parallel_loop3A_507, %parallel_loop3A_377 : i32
        %parallel_loop3A_509 = arith.constant 0 : i32
        %parallel_loop3A_510 = arith.index_cast %parallel_loop3A_509 : i32 to index
        %parallel_loop3A_511 = arith.index_cast %parallel_loop3A_508 : i32 to index
        %parallel_loop3A_512 = arith.constant 32 : index
        %parallel_loop3A_513 = tpu.vector_load %arg13[%parallel_loop3A_510, %parallel_loop3A_511, %parallel_loop3A_512] {strides = array<i32>} : memref<2x128x128xf32, #tpu.memory_space<vmem>>, vector<1x1x16xf32>,
        %parallel_loop3A_514 = vector.shape_cast %parallel_loop3A_513 : vector<1x1x16xf32> to vector<16xf32>
        %parallel_loop3A_515 = vector.shape_cast %parallel_loop3A_506 : vector<16xf32> to vector<1x1x16xf32>
        tpu.vector_store %arg13[%parallel_loop3A_510, %parallel_loop3A_511, %parallel_loop3A_512], %parallel_loop3A_515 {strides = array<i32>} : memref<2x128x128xf32, #tpu.memory_space<vmem>>, vector<1x1x16xf32>,
        %parallel_loop3A_516 = arith.index_cast %parallel_loop3A_377 : i32 to index
        %parallel_loop3A_517 = arith.constant 48 : index
        %parallel_loop3A_518 = tpu.vector_load %arg8[%parallel_loop3A_516, %parallel_loop3A_517] {strides = array<i32>} : memref<64x128xf32, #tpu.memory_space<vmem>>, vector<1x16xf32>,
        %parallel_loop3A_519 = vector.shape_cast %parallel_loop3A_518 : vector<1x16xf32> to vector<16xf32>
        %parallel_loop3A_520 = arith.addf %get3A_171, %parallel_loop3A_519 : vector<16xf32>
        %parallel_loop3A_521 = arith.mulf %parallel_loop3A_428, %get3A_61 : vector<16xf32>
        %parallel_loop3A_522 = arith.addf %parallel_loop3A_520, %parallel_loop3A_521 : vector<16xf32>
        %parallel_loop3A_523 = arith.constant 0 : i32
        %parallel_loop3A_524 = arith.index_cast %parallel_loop3A_523 : i32 to index
        %parallel_loop3A_525 = arith.index_cast %parallel_loop3A_377 : i32 to index
        %parallel_loop3A_526 = arith.constant 48 : index
        %parallel_loop3A_527 = tpu.vector_load %arg13[%parallel_loop3A_524, %parallel_loop3A_525, %parallel_loop3A_526] {strides = array<i32>} : memref<2x128x128xf32, #tpu.memory_space<vmem>>, vector<1x1x16xf32>,
        %parallel_loop3A_528 = vector.shape_cast %parallel_loop3A_527 : vector<1x1x16xf32> to vector<16xf32>
        %parallel_loop3A_529 = vector.shape_cast %parallel_loop3A_522 : vector<16xf32> to vector<1x1x16xf32>
        tpu.vector_store %arg13[%parallel_loop3A_524, %parallel_loop3A_525, %parallel_loop3A_526], %parallel_loop3A_529 {strides = array<i32>} : memref<2x128x128xf32, #tpu.memory_space<vmem>>, vector<1x1x16xf32>,
        %parallel_loop3A_530 = arith.addf %get3A_211, %parallel_loop3A_519 : vector<16xf32>
        %parallel_loop3A_531 = arith.mulf %parallel_loop3A_437, %get3A_61 : vector<16xf32>
        %parallel_loop3A_532 = arith.addf %parallel_loop3A_530, %parallel_loop3A_531 : vector<16xf32>
        %parallel_loop3A_533 = arith.constant 64 : i32
        %parallel_loop3A_534 = arith.addi %parallel_loop3A_533, %parallel_loop3A_377 : i32
        %parallel_loop3A_535 = arith.constant 0 : i32
        %parallel_loop3A_536 = arith.index_cast %parallel_loop3A_535 : i32 to index
        %parallel_loop3A_537 = arith.index_cast %parallel_loop3A_534 : i32 to index
        %parallel_loop3A_538 = arith.constant 48 : index
        %parallel_loop3A_539 = tpu.vector_load %arg13[%parallel_loop3A_536, %parallel_loop3A_537, %parallel_loop3A_538] {strides = array<i32>} : memref<2x128x128xf32, #tpu.memory_space<vmem>>, vector<1x1x16xf32>,
        %parallel_loop3A_540 = vector.shape_cast %parallel_loop3A_539 : vector<1x1x16xf32> to vector<16xf32>
        %parallel_loop3A_541 = vector.shape_cast %parallel_loop3A_532 : vector<16xf32> to vector<1x1x16xf32>
        tpu.vector_store %arg13[%parallel_loop3A_536, %parallel_loop3A_537, %parallel_loop3A_538], %parallel_loop3A_541 {strides = array<i32>} : memref<2x128x128xf32, #tpu.memory_space<vmem>>, vector<1x1x16xf32>,
        %parallel_loop3A_542 = arith.index_cast %parallel_loop3A_377 : i32 to index
        %parallel_loop3A_543 = arith.constant 64 : index
        %parallel_loop3A_544 = tpu.vector_load %arg8[%parallel_loop3A_542, %parallel_loop3A_543] {strides = array<i32>} : memref<64x128xf32, #tpu.memory_space<vmem>>, vector<1x16xf32>,
        %parallel_loop3A_545 = vector.shape_cast %parallel_loop3A_544 : vector<1x16xf32> to vector<16xf32>
        %parallel_loop3A_546 = arith.addf %get3A_175, %parallel_loop3A_545 : vector<16xf32>
        %parallel_loop3A_547 = arith.mulf %parallel_loop3A_428, %get3A_64 : vector<16xf32>
        %parallel_loop3A_548 = arith.addf %parallel_loop3A_546, %parallel_loop3A_547 : vector<16xf32>
        %parallel_loop3A_549 = arith.constant 0 : i32
        %parallel_loop3A_550 = arith.index_cast %parallel_loop3A_549 : i32 to index
        %parallel_loop3A_551 = arith.index_cast %parallel_loop3A_377 : i32 to index
        %parallel_loop3A_552 = arith.constant 64 : index
        %parallel_loop3A_553 = tpu.vector_load %arg13[%parallel_loop3A_550, %parallel_loop3A_551, %parallel_loop3A_552] {strides = array<i32>} : memref<2x128x128xf32, #tpu.memory_space<vmem>>, vector<1x1x16xf32>,
        %parallel_loop3A_554 = vector.shape_cast %parallel_loop3A_553 : vector<1x1x16xf32> to vector<16xf32>
        %parallel_loop3A_555 = vector.shape_cast %parallel_loop3A_548 : vector<16xf32> to vector<1x1x16xf32>
        tpu.vector_store %arg13[%parallel_loop3A_550, %parallel_loop3A_551, %parallel_loop3A_552], %parallel_loop3A_555 {strides = array<i32>} : memref<2x128x128xf32, #tpu.memory_space<vmem>>, vector<1x1x16xf32>,
        %parallel_loop3A_556 = arith.addf %get3A_217, %parallel_loop3A_545 : vector<16xf32>
        %parallel_loop3A_557 = arith.mulf %parallel_loop3A_437, %get3A_64 : vector<16xf32>
        %parallel_loop3A_558 = arith.addf %parallel_loop3A_556, %parallel_loop3A_557 : vector<16xf32>
        %parallel_loop3A_559 = arith.constant 64 : i32
        %parallel_loop3A_560 = arith.addi %parallel_loop3A_559, %parallel_loop3A_377 : i32
        %parallel_loop3A_561 = arith.constant 0 : i32
        %parallel_loop3A_562 = arith.index_cast %parallel_loop3A_561 : i32 to index
        %parallel_loop3A_563 = arith.index_cast %parallel_loop3A_560 : i32 to index
        %parallel_loop3A_564 = arith.constant 64 : index
        %parallel_loop3A_565 = tpu.vector_load %arg13[%parallel_loop3A_562, %parallel_loop3A_563, %parallel_loop3A_564] {strides = array<i32>} : memref<2x128x128xf32, #tpu.memory_space<vmem>>, vector<1x1x16xf32>,
        %parallel_loop3A_566 = vector.shape_cast %parallel_loop3A_565 : vector<1x1x16xf32> to vector<16xf32>
        %parallel_loop3A_567 = vector.shape_cast %parallel_loop3A_558 : vector<16xf32> to vector<1x1x16xf32>
        tpu.vector_store %arg13[%parallel_loop3A_562, %parallel_loop3A_563, %parallel_loop3A_564], %parallel_loop3A_567 {strides = array<i32>} : memref<2x128x128xf32, #tpu.memory_space<vmem>>, vector<1x1x16xf32>,
        %parallel_loop3A_568 = arith.index_cast %parallel_loop3A_377 : i32 to index
        %parallel_loop3A_569 = arith.constant 80 : index
        %parallel_loop3A_570 = tpu.vector_load %arg8[%parallel_loop3A_568, %parallel_loop3A_569] {strides = array<i32>} : memref<64x128xf32, #tpu.memory_space<vmem>>, vector<1x16xf32>,
        %parallel_loop3A_571 = vector.shape_cast %parallel_loop3A_570 : vector<1x16xf32> to vector<16xf32>
        %parallel_loop3A_572 = arith.addf %get3A_179, %parallel_loop3A_571 : vector<16xf32>
        %parallel_loop3A_573 = arith.mulf %parallel_loop3A_428, %get3A_67 : vector<16xf32>
        %parallel_loop3A_574 = arith.addf %parallel_loop3A_572, %parallel_loop3A_573 : vector<16xf32>
        %parallel_loop3A_575 = arith.constant 0 : i32
        %parallel_loop3A_576 = arith.index_cast %parallel_loop3A_575 : i32 to index
        %parallel_loop3A_577 = arith.index_cast %parallel_loop3A_377 : i32 to index
        %parallel_loop3A_578 = arith.constant 80 : index
        %parallel_loop3A_579 = tpu.vector_load %arg13[%parallel_loop3A_576, %parallel_loop3A_577, %parallel_loop3A_578] {strides = array<i32>} : memref<2x128x128xf32, #tpu.memory_space<vmem>>, vector<1x1x16xf32>,
        %parallel_loop3A_580 = vector.shape_cast %parallel_loop3A_579 : vector<1x1x16xf32> to vector<16xf32>
        %parallel_loop3A_581 = vector.shape_cast %parallel_loop3A_574 : vector<16xf32> to vector<1x1x16xf32>
        tpu.vector_store %arg13[%parallel_loop3A_576, %parallel_loop3A_577, %parallel_loop3A_578], %parallel_loop3A_581 {strides = array<i32>} : memref<2x128x128xf32, #tpu.memory_space<vmem>>, vector<1x1x16xf32>,
        %parallel_loop3A_582 = arith.addf %get3A_223, %parallel_loop3A_571 : vector<16xf32>
        %parallel_loop3A_583 = arith.mulf %parallel_loop3A_437, %get3A_67 : vector<16xf32>
        %parallel_loop3A_584 = arith.addf %parallel_loop3A_582, %parallel_loop3A_583 : vector<16xf32>
        %parallel_loop3A_585 = arith.constant 64 : i32
        %parallel_loop3A_586 = arith.addi %parallel_loop3A_585, %parallel_loop3A_377 : i32
        %parallel_loop3A_587 = arith.constant 0 : i32
        %parallel_loop3A_588 = arith.index_cast %parallel_loop3A_587 : i32 to index
        %parallel_loop3A_589 = arith.index_cast %parallel_loop3A_586 : i32 to index
        %parallel_loop3A_590 = arith.constant 80 : index
        %parallel_loop3A_591 = tpu.vector_load %arg13[%parallel_loop3A_588, %parallel_loop3A_589, %parallel_loop3A_590] {strides = array<i32>} : memref<2x128x128xf32, #tpu.memory_space<vmem>>, vector<1x1x16xf32>,
        %parallel_loop3A_592 = vector.shape_cast %parallel_loop3A_591 : vector<1x1x16xf32> to vector<16xf32>
        %parallel_loop3A_593 = vector.shape_cast %parallel_loop3A_584 : vector<16xf32> to vector<1x1x16xf32>
        tpu.vector_store %arg13[%parallel_loop3A_588, %parallel_loop3A_589, %parallel_loop3A_590], %parallel_loop3A_593 {strides = array<i32>} : memref<2x128x128xf32, #tpu.memory_space<vmem>>, vector<1x1x16xf32>,
        %parallel_loop3A_594 = arith.index_cast %parallel_loop3A_377 : i32 to index
        %parallel_loop3A_595 = arith.constant 96 : index
        %parallel_loop3A_596 = tpu.vector_load %arg8[%parallel_loop3A_594, %parallel_loop3A_595] {strides = array<i32>} : memref<64x128xf32, #tpu.memory_space<vmem>>, vector<1x16xf32>,
        %parallel_loop3A_597 = vector.shape_cast %parallel_loop3A_596 : vector<1x16xf32> to vector<16xf32>
        %parallel_loop3A_598 = arith.addf %get3A_183, %parallel_loop3A_597 : vector<16xf32>
        %parallel_loop3A_599 = arith.mulf %parallel_loop3A_428, %get3A_70 : vector<16xf32>
        %parallel_loop3A_600 = arith.addf %parallel_loop3A_598, %parallel_loop3A_599 : vector<16xf32>
        %parallel_loop3A_601 = arith.constant 0 : i32
        %parallel_loop3A_602 = arith.index_cast %parallel_loop3A_601 : i32 to index
        %parallel_loop3A_603 = arith.index_cast %parallel_loop3A_377 : i32 to index
        %parallel_loop3A_604 = arith.constant 96 : index
        %parallel_loop3A_605 = tpu.vector_load %arg13[%parallel_loop3A_602, %parallel_loop3A_603, %parallel_loop3A_604] {strides = array<i32>} : memref<2x128x128xf32, #tpu.memory_space<vmem>>, vector<1x1x16xf32>,
        %parallel_loop3A_606 = vector.shape_cast %parallel_loop3A_605 : vector<1x1x16xf32> to vector<16xf32>
        %parallel_loop3A_607 = vector.shape_cast %parallel_loop3A_600 : vector<16xf32> to vector<1x1x16xf32>
        tpu.vector_store %arg13[%parallel_loop3A_602, %parallel_loop3A_603, %parallel_loop3A_604], %parallel_loop3A_607 {strides = array<i32>} : memref<2x128x128xf32, #tpu.memory_space<vmem>>, vector<1x1x16xf32>,
        %parallel_loop3A_608 = arith.addf %get3A_229, %parallel_loop3A_597 : vector<16xf32>
        %parallel_loop3A_609 = arith.mulf %parallel_loop3A_437, %get3A_70 : vector<16xf32>
        %parallel_loop3A_610 = arith.addf %parallel_loop3A_608, %parallel_loop3A_609 : vector<16xf32>
        %parallel_loop3A_611 = arith.constant 64 : i32
        %parallel_loop3A_612 = arith.addi %parallel_loop3A_611, %parallel_loop3A_377 : i32
        %parallel_loop3A_613 = arith.constant 0 : i32
        %parallel_loop3A_614 = arith.index_cast %parallel_loop3A_613 : i32 to index
        %parallel_loop3A_615 = arith.index_cast %parallel_loop3A_612 : i32 to index
        %parallel_loop3A_616 = arith.constant 96 : index
        %parallel_loop3A_617 = tpu.vector_load %arg13[%parallel_loop3A_614, %parallel_loop3A_615, %parallel_loop3A_616] {strides = array<i32>} : memref<2x128x128xf32, #tpu.memory_space<vmem>>, vector<1x1x16xf32>,
        %parallel_loop3A_618 = vector.shape_cast %parallel_loop3A_617 : vector<1x1x16xf32> to vector<16xf32>
        %parallel_loop3A_619 = vector.shape_cast %parallel_loop3A_610 : vector<16xf32> to vector<1x1x16xf32>
        tpu.vector_store %arg13[%parallel_loop3A_614, %parallel_loop3A_615, %parallel_loop3A_616], %parallel_loop3A_619 {strides = array<i32>} : memref<2x128x128xf32, #tpu.memory_space<vmem>>, vector<1x1x16xf32>,
        %parallel_loop3A_620 = arith.index_cast %parallel_loop3A_377 : i32 to index
        %parallel_loop3A_621 = arith.constant 112 : index
        %parallel_loop3A_622 = tpu.vector_load %arg8[%parallel_loop3A_620, %parallel_loop3A_621] {strides = array<i32>} : memref<64x128xf32, #tpu.memory_space<vmem>>, vector<1x16xf32>,
        %parallel_loop3A_623 = vector.shape_cast %parallel_loop3A_622 : vector<1x16xf32> to vector<16xf32>
        %parallel_loop3A_624 = arith.addf %get3A_187, %parallel_loop3A_623 : vector<16xf32>
        %parallel_loop3A_625 = arith.mulf %parallel_loop3A_428, %get3A_73 : vector<16xf32>
        %parallel_loop3A_626 = arith.addf %parallel_loop3A_624, %parallel_loop3A_625 : vector<16xf32>
        %parallel_loop3A_627 = arith.constant 0 : i32
        %parallel_loop3A_628 = arith.index_cast %parallel_loop3A_627 : i32 to index
        %parallel_loop3A_629 = arith.index_cast %parallel_loop3A_377 : i32 to index
        %parallel_loop3A_630 = arith.constant 112 : index
        %parallel_loop3A_631 = tpu.vector_load %arg13[%parallel_loop3A_628, %parallel_loop3A_629, %parallel_loop3A_630] {strides = array<i32>} : memref<2x128x128xf32, #tpu.memory_space<vmem>>, vector<1x1x16xf32>,
        %parallel_loop3A_632 = vector.shape_cast %parallel_loop3A_631 : vector<1x1x16xf32> to vector<16xf32>
        %parallel_loop3A_633 = vector.shape_cast %parallel_loop3A_626 : vector<16xf32> to vector<1x1x16xf32>
        tpu.vector_store %arg13[%parallel_loop3A_628, %parallel_loop3A_629, %parallel_loop3A_630], %parallel_loop3A_633 {strides = array<i32>} : memref<2x128x128xf32, #tpu.memory_space<vmem>>, vector<1x1x16xf32>,
        %parallel_loop3A_634 = arith.addf %get3A_235, %parallel_loop3A_623 : vector<16xf32>
        %parallel_loop3A_635 = arith.mulf %parallel_loop3A_437, %get3A_73 : vector<16xf32>
        %parallel_loop3A_636 = arith.addf %parallel_loop3A_634, %parallel_loop3A_635 : vector<16xf32>
        %parallel_loop3A_637 = arith.constant 64 : i32
        %parallel_loop3A_638 = arith.addi %parallel_loop3A_637, %parallel_loop3A_377 : i32
        %parallel_loop3A_639 = arith.constant 0 : i32
        %parallel_loop3A_640 = arith.index_cast %parallel_loop3A_639 : i32 to index
        %parallel_loop3A_641 = arith.index_cast %parallel_loop3A_638 : i32 to index
        %parallel_loop3A_642 = arith.constant 112 : index
        %parallel_loop3A_643 = tpu.vector_load %arg13[%parallel_loop3A_640, %parallel_loop3A_641, %parallel_loop3A_642] {strides = array<i32>} : memref<2x128x128xf32, #tpu.memory_space<vmem>>, vector<1x1x16xf32>,
        %parallel_loop3A_644 = vector.shape_cast %parallel_loop3A_643 : vector<1x1x16xf32> to vector<16xf32>
        %parallel_loop3A_645 = vector.shape_cast %parallel_loop3A_636 : vector<16xf32> to vector<1x1x16xf32>
        tpu.vector_store %arg13[%parallel_loop3A_640, %parallel_loop3A_641, %parallel_loop3A_642], %parallel_loop3A_645 {strides = array<i32>} : memref<2x128x128xf32, #tpu.memory_space<vmem>>, vector<1x1x16xf32>,
      } {sc.loop_unroll_factor = 2 : i64, sc.parallel_access}
      %add3A_241 = arith.addi %mul3A_32, %add3A_149 : i32
      %mul3A_242 = arith.constant 64 : i32
      %mul3A_243 = arith.muli %add3A_241, %mul3A_242 : i32
      %dma_start3A_244 = arith.constant 0 : i32
      %dma_start3A_245 = arith.constant 0 : i32
      %dma_start3A_246 = arith.constant 0 : i32
      %dma_start3A_247 = tpu.memref_slice %arg13[%dma_start3A_244, %dma_start3A_245, %dma_start3A_246] : memref<2x128x128xf32, #tpu.memory_space<vmem>> -> memref<1x128x128xf32, #tpu.memory_space<vmem>>
      %dma_start3A_248 = tpu.memref_squeeze %dma_start3A_247 : memref<1x128x128xf32, #tpu.memory_space<vmem>> -> memref<128x128xf32, #tpu.memory_space<vmem>>
      %dma_start3A_249 = arith.constant 0 : i32
      %dma_start3A_250 = tpu.memref_slice %arg7[%select_n3A, %mul3A_243, %dma_start3A_249] : memref<4x65536x128xf32, #tpu.memory_space<hbm>> -> memref<1x128x128xf32, #tpu.memory_space<hbm>>
      %dma_start3A_251 = tpu.memref_squeeze %dma_start3A_250 : memref<1x128x128xf32, #tpu.memory_space<hbm>> -> memref<128x128xf32, #tpu.memory_space<hbm>>
      %dma_start3A_252 = arith.constant 0 : i32
      %dma_start3A_253 = tpu.memref_slice %arg7[%select_n3A, %mul3A_243, %dma_start3A_252] : memref<4x65536x128xf32, #tpu.memory_space<hbm>> -> memref<1x128x128xf32, #tpu.memory_space<hbm>>
      %dma_start3A_254 = tpu.memref_squeeze %dma_start3A_253 : memref<1x128x128xf32, #tpu.memory_space<hbm>> -> memref<128x128xf32, #tpu.memory_space<hbm>>
      %dma_start3A_255 = arith.constant 0 : i32
      %dma_start3A_256 = arith.constant 0 : i32
      %dma_start3A_257 = tpu.memref_slice %arg13[%dma_start3A_244, %dma_start3A_255, %dma_start3A_256] : memref<2x128x128xf32, #tpu.memory_space<vmem>> -> memref<1x128x128xf32, #tpu.memory_space<vmem>>
      %dma_start3A_258 = tpu.memref_squeeze %dma_start3A_257 : memref<1x128x128xf32, #tpu.memory_space<vmem>> -> memref<128x128xf32, #tpu.memory_space<vmem>>
      tpu.enqueue_dma source(%dma_start3A_258 : memref<128x128xf32, #tpu.memory_space<vmem>>) target(%dma_start3A_254 : memref<128x128xf32, #tpu.memory_space<hbm>>) target_semaphore(%arg14 : memref<!tpu.dma_semaphore, #tpu.memory_space<semaphore_mem>>)
      %mul3A_259 = arith.constant 4 : i32
      %mul3A_260 = arith.muli %mul3A_259, %scan3A_145 : i32
      %add3A_261 = arith.constant 2 : i32
      %add3A_262 = arith.addi %mul3A_260, %add3A_261 : i32
      %mul3A_263 = arith.constant 4 : i32
      %mul3A_264 = arith.muli %mul3A_263, %scan3A_145 : i32
      %add3A_265 = arith.constant 2 : i32
      %add3A_266 = arith.addi %mul3A_264, %add3A_265 : i32
      %ge3A_267 = arith.constant 4 : i32
      %ge3A_268 = arith.cmpi sge, %add3A_266, %ge3A_267 : i32
      %convert_element_type3A_269 = arith.extui %ge3A_268 : i1 to i32
      %cond3A_270 = arith.constant 0 : i32
      %cond3A_271 = arith.cmpi ne, %convert_element_type3A_269, %cond3A_270 : i32
      scf.if %cond3A_271 {
        %dma_wait3A_377 = arith.constant 1 : i32
        %dma_wait3A_378 = arith.constant 0 : i32
        %dma_wait3A_379 = arith.constant 0 : i32
        %dma_wait3A_380 = arith.constant 0 : i32
        %dma_wait3A_381 = tpu.memref_slice %arg13[%dma_wait3A_377, %dma_wait3A_379, %dma_wait3A_380] : memref<2x128x128xf32, #tpu.memory_space<vmem>> -> memref<1x128x128xf32, #tpu.memory_space<vmem>>
        %dma_wait3A_382 = tpu.memref_squeeze %dma_wait3A_381 : memref<1x128x128xf32, #tpu.memory_space<vmem>> -> memref<128x128xf32, #tpu.memory_space<vmem>>
        %dma_wait3A_383 = arith.constant 0 : i32
        %dma_wait3A_384 = arith.constant 0 : i32
        %dma_wait3A_385 = tpu.memref_slice %arg7[%dma_wait3A_378, %dma_wait3A_383, %dma_wait3A_384] : memref<4x65536x128xf32, #tpu.memory_space<hbm>> -> memref<1x128x128xf32, #tpu.memory_space<hbm>>
        %dma_wait3A_386 = tpu.memref_squeeze %dma_wait3A_385 : memref<1x128x128xf32, #tpu.memory_space<hbm>> -> memref<128x128xf32, #tpu.memory_space<hbm>>
        %dma_wait3A_387 = arith.constant 0 : i32
        %dma_wait3A_388 = arith.constant 0 : i32
        %dma_wait3A_389 = tpu.memref_slice %arg7[%dma_wait3A_378, %dma_wait3A_387, %dma_wait3A_388] : memref<4x65536x128xf32, #tpu.memory_space<hbm>> -> memref<1x128x128xf32, #tpu.memory_space<hbm>>
        %dma_wait3A_390 = tpu.memref_squeeze %dma_wait3A_389 : memref<1x128x128xf32, #tpu.memory_space<hbm>> -> memref<128x128xf32, #tpu.memory_space<hbm>>
        %dma_wait3A_391 = arith.constant 0 : i32
        %dma_wait3A_392 = arith.constant 0 : i32
        %dma_wait3A_393 = tpu.memref_slice %arg13[%dma_wait3A_377, %dma_wait3A_391, %dma_wait3A_392] : memref<2x128x128xf32, #tpu.memory_space<vmem>> -> memref<1x128x128xf32, #tpu.memory_space<vmem>>
        %dma_wait3A_394 = tpu.memref_squeeze %dma_wait3A_393 : memref<1x128x128xf32, #tpu.memory_space<vmem>> -> memref<128x128xf32, #tpu.memory_space<vmem>>
        tpu.wait_dma2 semaphore(%arg15 : memref<!tpu.dma_semaphore, #tpu.memory_space<semaphore_mem>>) src(%dma_wait3A_394 : memref<128x128xf32, #tpu.memory_space<vmem>>) dst(%dma_wait3A_390 : memref<128x128xf32, #tpu.memory_space<hbm>>)
      } else {
      }
      %get3A_272 = arith.index_cast %add3A_262 : i32 to index
      %get3A_273 = arith.constant 0 : index
      %get3A_274 = tpu.vector_load %arg9[%get3A_272, %get3A_273] {strides = array<i32>} : memref<128x128xf32, #tpu.memory_space<vmem>>, vector<1x16xf32>,
      %get3A_275 = vector.shape_cast %get3A_274 : vector<1x16xf32> to vector<16xf32>
      %get3A_276 = arith.index_cast %add3A_262 : i32 to index
      %get3A_277 = arith.constant 16 : index
      %get3A_278 = tpu.vector_load %arg9[%get3A_276, %get3A_277] {strides = array<i32>} : memref<128x128xf32, #tpu.memory_space<vmem>>, vector<1x16xf32>,
      %get3A_279 = vector.shape_cast %get3A_278 : vector<1x16xf32> to vector<16xf32>
      %get3A_280 = arith.index_cast %add3A_262 : i32 to index
      %get3A_281 = arith.constant 32 : index
      %get3A_282 = tpu.vector_load %arg9[%get3A_280, %get3A_281] {strides = array<i32>} : memref<128x128xf32, #tpu.memory_space<vmem>>, vector<1x16xf32>,
      %get3A_283 = vector.shape_cast %get3A_282 : vector<1x16xf32> to vector<16xf32>
      %get3A_284 = arith.index_cast %add3A_262 : i32 to index
      %get3A_285 = arith.constant 48 : index
      %get3A_286 = tpu.vector_load %arg9[%get3A_284, %get3A_285] {strides = array<i32>} : memref<128x128xf32, #tpu.memory_space<vmem>>, vector<1x16xf32>,
      %get3A_287 = vector.shape_cast %get3A_286 : vector<1x16xf32> to vector<16xf32>
      %get3A_288 = arith.index_cast %add3A_262 : i32 to index
      %get3A_289 = arith.constant 64 : index
      %get3A_290 = tpu.vector_load %arg9[%get3A_288, %get3A_289] {strides = array<i32>} : memref<128x128xf32, #tpu.memory_space<vmem>>, vector<1x16xf32>,
      %get3A_291 = vector.shape_cast %get3A_290 : vector<1x16xf32> to vector<16xf32>
      %get3A_292 = arith.index_cast %add3A_262 : i32 to index
      %get3A_293 = arith.constant 80 : index
      %get3A_294 = tpu.vector_load %arg9[%get3A_292, %get3A_293] {strides = array<i32>} : memref<128x128xf32, #tpu.memory_space<vmem>>, vector<1x16xf32>,
      %get3A_295 = vector.shape_cast %get3A_294 : vector<1x16xf32> to vector<16xf32>
      %get3A_296 = arith.index_cast %add3A_262 : i32 to index
      %get3A_297 = arith.constant 96 : index
      %get3A_298 = tpu.vector_load %arg9[%get3A_296, %get3A_297] {strides = array<i32>} : memref<128x128xf32, #tpu.memory_space<vmem>>, vector<1x16xf32>,
      %get3A_299 = vector.shape_cast %get3A_298 : vector<1x16xf32> to vector<16xf32>
      %get3A_300 = arith.index_cast %add3A_262 : i32 to index
      %get3A_301 = arith.constant 112 : index
      %get3A_302 = tpu.vector_load %arg9[%get3A_300, %get3A_301] {strides = array<i32>} : memref<128x128xf32, #tpu.memory_space<vmem>>, vector<1x16xf32>,
      %get3A_303 = vector.shape_cast %get3A_302 : vector<1x16xf32> to vector<16xf32>
      %add3A_304 = arith.constant 1 : i32
      %add3A_305 = arith.addi %add3A_262, %add3A_304 : i32
      %get3A_306 = arith.index_cast %add3A_305 : i32 to index
      %get3A_307 = arith.constant 0 : index
      %get3A_308 = tpu.vector_load %arg9[%get3A_306, %get3A_307] {strides = array<i32>} : memref<128x128xf32, #tpu.memory_space<vmem>>, vector<1x16xf32>,
      %get3A_309 = vector.shape_cast %get3A_308 : vector<1x16xf32> to vector<16xf32>
      %add3A_310 = arith.constant 1 : i32
      %add3A_311 = arith.addi %add3A_262, %add3A_310 : i32
      %get3A_312 = arith.index_cast %add3A_311 : i32 to index
      %get3A_313 = arith.constant 16 : index
      %get3A_314 = tpu.vector_load %arg9[%get3A_312, %get3A_313] {strides = array<i32>} : memref<128x128xf32, #tpu.memory_space<vmem>>, vector<1x16xf32>,
      %get3A_315 = vector.shape_cast %get3A_314 : vector<1x16xf32> to vector<16xf32>
      %add3A_316 = arith.constant 1 : i32
      %add3A_317 = arith.addi %add3A_262, %add3A_316 : i32
      %get3A_318 = arith.index_cast %add3A_317 : i32 to index
      %get3A_319 = arith.constant 32 : index
      %get3A_320 = tpu.vector_load %arg9[%get3A_318, %get3A_319] {strides = array<i32>} : memref<128x128xf32, #tpu.memory_space<vmem>>, vector<1x16xf32>,
      %get3A_321 = vector.shape_cast %get3A_320 : vector<1x16xf32> to vector<16xf32>
      %add3A_322 = arith.constant 1 : i32
      %add3A_323 = arith.addi %add3A_262, %add3A_322 : i32
      %get3A_324 = arith.index_cast %add3A_323 : i32 to index
      %get3A_325 = arith.constant 48 : index
      %get3A_326 = tpu.vector_load %arg9[%get3A_324, %get3A_325] {strides = array<i32>} : memref<128x128xf32, #tpu.memory_space<vmem>>, vector<1x16xf32>,
      %get3A_327 = vector.shape_cast %get3A_326 : vector<1x16xf32> to vector<16xf32>
      %add3A_328 = arith.constant 1 : i32
      %add3A_329 = arith.addi %add3A_262, %add3A_328 : i32
      %get3A_330 = arith.index_cast %add3A_329 : i32 to index
      %get3A_331 = arith.constant 64 : index
      %get3A_332 = tpu.vector_load %arg9[%get3A_330, %get3A_331] {strides = array<i32>} : memref<128x128xf32, #tpu.memory_space<vmem>>, vector<1x16xf32>,
      %get3A_333 = vector.shape_cast %get3A_332 : vector<1x16xf32> to vector<16xf32>
      %add3A_334 = arith.constant 1 : i32
      %add3A_335 = arith.addi %add3A_262, %add3A_334 : i32
      %get3A_336 = arith.index_cast %add3A_335 : i32 to index
      %get3A_337 = arith.constant 80 : index
      %get3A_338 = tpu.vector_load %arg9[%get3A_336, %get3A_337] {strides = array<i32>} : memref<128x128xf32, #tpu.memory_space<vmem>>, vector<1x16xf32>,
      %get3A_339 = vector.shape_cast %get3A_338 : vector<1x16xf32> to vector<16xf32>
      %add3A_340 = arith.constant 1 : i32
      %add3A_341 = arith.addi %add3A_262, %add3A_340 : i32
      %get3A_342 = arith.index_cast %add3A_341 : i32 to index
      %get3A_343 = arith.constant 96 : index
      %get3A_344 = tpu.vector_load %arg9[%get3A_342, %get3A_343] {strides = array<i32>} : memref<128x128xf32, #tpu.memory_space<vmem>>, vector<1x16xf32>,
      %get3A_345 = vector.shape_cast %get3A_344 : vector<1x16xf32> to vector<16xf32>
      %add3A_346 = arith.constant 1 : i32
      %add3A_347 = arith.addi %add3A_262, %add3A_346 : i32
      %get3A_348 = arith.index_cast %add3A_347 : i32 to index
      %get3A_349 = arith.constant 112 : index
      %get3A_350 = tpu.vector_load %arg9[%get3A_348, %get3A_349] {strides = array<i32>} : memref<128x128xf32, #tpu.memory_space<vmem>>, vector<1x16xf32>,
      %get3A_351 = vector.shape_cast %get3A_350 : vector<1x16xf32> to vector<16xf32>
      %iota3A_352 = tpu.iota {dimensions = array<i32: 0>} : vector<16xi32>
      %mul3A_353 = arith.constant 0 : i32
      %mul3A_354 = vector.broadcast %mul3A_353 : i32 to vector<16xi32>
      %mul3A_355 = arith.muli %iota3A_352, %mul3A_354 : vector<16xi32>
      %parallel_loop3A_356 = arith.constant 0 : i32
      %parallel_loop3A_357 = arith.constant 64 : i32
      %parallel_loop3A_358 = arith.constant 1 : i32
      scf.for %parallel_loop3A_377 = %parallel_loop3A_356 to %parallel_loop3A_357 step %parallel_loop3A_358  : i32 {
        %parallel_loop3A_378 = arith.constant 16 : i32
        %parallel_loop3A_379 = arith.divsi %parallel_loop3A_377, %parallel_loop3A_378 : i32
        %parallel_loop3A_380 = arith.constant 0 : i32
        %parallel_loop3A_381 = arith.cmpi sgt, %parallel_loop3A_377, %parallel_loop3A_380 : i32
        %parallel_loop3A_382 = arith.extui %parallel_loop3A_381 : i1 to i32
        %parallel_loop3A_383 = arith.constant 0 : i32
        %parallel_loop3A_384 = arith.cmpi slt, %parallel_loop3A_377, %parallel_loop3A_383 : i32
        %parallel_loop3A_385 = arith.extui %parallel_loop3A_384 : i1 to i32
        %parallel_loop3A_386 = arith.subi %parallel_loop3A_382, %parallel_loop3A_385 : i32
        %parallel_loop3A_387 = arith.constant 0 : i32
        %parallel_loop3A_388 = arith.cmpi sgt, %parallel_loop3A_378, %parallel_loop3A_387 : i32
        %parallel_loop3A_389 = arith.extui %parallel_loop3A_388 : i1 to i32
        %parallel_loop3A_390 = arith.constant 0 : i32
        %parallel_loop3A_391 = arith.cmpi slt, %parallel_loop3A_378, %parallel_loop3A_390 : i32
        %parallel_loop3A_392 = arith.extui %parallel_loop3A_391 : i1 to i32
        %parallel_loop3A_393 = arith.subi %parallel_loop3A_389, %parallel_loop3A_392 : i32
        %parallel_loop3A_394 = arith.cmpi ne, %parallel_loop3A_386, %parallel_loop3A_393 : i32
        %parallel_loop3A_395 = arith.remsi %parallel_loop3A_377, %parallel_loop3A_378 : i32
        %parallel_loop3A_396 = arith.constant 0 : i32
        %parallel_loop3A_397 = arith.cmpi ne, %parallel_loop3A_395, %parallel_loop3A_396 : i32
        %parallel_loop3A_398 = arith.andi %parallel_loop3A_394, %parallel_loop3A_397 : i1
        %parallel_loop3A_399 = arith.constant 1 : i32
        %parallel_loop3A_400 = arith.subi %parallel_loop3A_379, %parallel_loop3A_399 : i32
        %parallel_loop3A_401 = arith.select %parallel_loop3A_398, %parallel_loop3A_400, %parallel_loop3A_379 : i32
        %parallel_loop3A_402 = arith.constant 16 : i32
        %parallel_loop3A_403 = arith.muli %parallel_loop3A_401, %parallel_loop3A_402 : i32
        %parallel_loop3A_404 = arith.constant 16 : i32
        %parallel_loop3A_405 = arith.constant 0 : i32
        %parallel_loop3A_406 = arith.cmpi eq, %parallel_loop3A_404, %parallel_loop3A_405 : i32
        %parallel_loop3A_407 = arith.constant 1 : i32
        %parallel_loop3A_408 = arith.select %parallel_loop3A_406, %parallel_loop3A_407, %parallel_loop3A_404 : i32
        %parallel_loop3A_409 = arith.remsi %parallel_loop3A_377, %parallel_loop3A_408 : i32
        %parallel_loop3A_410 = arith.constant 0 : i32
        %parallel_loop3A_411 = arith.cmpi ne, %parallel_loop3A_409, %parallel_loop3A_410 : i32
        %parallel_loop3A_412 = arith.constant 0 : i32
        %parallel_loop3A_413 = arith.cmpi slt, %parallel_loop3A_409, %parallel_loop3A_412 : i32
        %parallel_loop3A_414 = arith.constant 0 : i32
        %parallel_loop3A_415 = arith.cmpi slt, %parallel_loop3A_408, %parallel_loop3A_414 : i32
        %parallel_loop3A_416 = arith.xori %parallel_loop3A_413, %parallel_loop3A_415 : i1
        %parallel_loop3A_417 = arith.andi %parallel_loop3A_416, %parallel_loop3A_411 : i1
        %parallel_loop3A_418 = arith.addi %parallel_loop3A_409, %parallel_loop3A_408 : i32
        %parallel_loop3A_419 = arith.select %parallel_loop3A_417, %parallel_loop3A_418, %parallel_loop3A_409 : i32
        %parallel_loop3A_420 = vector.broadcast %parallel_loop3A_419 : i32 to vector<16xi32>
        %parallel_loop3A_421 = arith.addi %mul3A_355, %parallel_loop3A_420 : vector<16xi32>
        %parallel_loop3A_422 = arith.index_cast %add3A_262 : i32 to index
        %parallel_loop3A_423 = arith.index_cast %parallel_loop3A_403 : i32 to index
        %parallel_loop3A_424 = tpu.vector_load %arg10[%parallel_loop3A_422, %parallel_loop3A_423] {strides = array<i32>} : memref<128x64xf32, #tpu.memory_space<vmem>>, vector<1x16xf32>,
        %parallel_loop3A_425 = vector.shape_cast %parallel_loop3A_424 : vector<1x16xf32> to vector<16xf32>
        %parallel_loop3A_426 = vector.shape_cast %parallel_loop3A_421 : vector<16xi32> to vector<16x1xi32>
        %parallel_loop3A_427 = vector.shape_cast %parallel_loop3A_426 : vector<16x1xi32> to vector<16xi32>
        %parallel_loop3A_428 = tpu.dynamic_gather %parallel_loop3A_425[%parallel_loop3A_427] in [0] : vector<16xf32>, vector<16xi32> -> vector<16xf32>
        %parallel_loop3A_429 = arith.constant 1 : i32
        %parallel_loop3A_430 = arith.addi %add3A_262, %parallel_loop3A_429 : i32
        %parallel_loop3A_431 = arith.index_cast %parallel_loop3A_430 : i32 to index
        %parallel_loop3A_432 = arith.index_cast %parallel_loop3A_403 : i32 to index
        %parallel_loop3A_433 = tpu.vector_load %arg10[%parallel_loop3A_431, %parallel_loop3A_432] {strides = array<i32>} : memref<128x64xf32, #tpu.memory_space<vmem>>, vector<1x16xf32>,
        %parallel_loop3A_434 = vector.shape_cast %parallel_loop3A_433 : vector<1x16xf32> to vector<16xf32>
        %parallel_loop3A_435 = vector.shape_cast %parallel_loop3A_421 : vector<16xi32> to vector<16x1xi32>
        %parallel_loop3A_436 = vector.shape_cast %parallel_loop3A_435 : vector<16x1xi32> to vector<16xi32>
        %parallel_loop3A_437 = tpu.dynamic_gather %parallel_loop3A_434[%parallel_loop3A_436] in [0] : vector<16xf32>, vector<16xi32> -> vector<16xf32>
        %parallel_loop3A_438 = arith.index_cast %parallel_loop3A_377 : i32 to index
        %parallel_loop3A_439 = arith.constant 0 : index
        %parallel_loop3A_440 = tpu.vector_load %arg8[%parallel_loop3A_438, %parallel_loop3A_439] {strides = array<i32>} : memref<64x128xf32, #tpu.memory_space<vmem>>, vector<1x16xf32>,
        %parallel_loop3A_441 = vector.shape_cast %parallel_loop3A_440 : vector<1x16xf32> to vector<16xf32>
        %parallel_loop3A_442 = arith.addf %get3A_275, %parallel_loop3A_441 : vector<16xf32>
        %parallel_loop3A_443 = arith.mulf %parallel_loop3A_428, %get3A_52 : vector<16xf32>
        %parallel_loop3A_444 = arith.addf %parallel_loop3A_442, %parallel_loop3A_443 : vector<16xf32>
        %parallel_loop3A_445 = arith.constant 1 : i32
        %parallel_loop3A_446 = arith.index_cast %parallel_loop3A_445 : i32 to index
        %parallel_loop3A_447 = arith.index_cast %parallel_loop3A_377 : i32 to index
        %parallel_loop3A_448 = arith.constant 0 : index
        %parallel_loop3A_449 = tpu.vector_load %arg13[%parallel_loop3A_446, %parallel_loop3A_447, %parallel_loop3A_448] {strides = array<i32>} : memref<2x128x128xf32, #tpu.memory_space<vmem>>, vector<1x1x16xf32>,
        %parallel_loop3A_450 = vector.shape_cast %parallel_loop3A_449 : vector<1x1x16xf32> to vector<16xf32>
        %parallel_loop3A_451 = vector.shape_cast %parallel_loop3A_444 : vector<16xf32> to vector<1x1x16xf32>
        tpu.vector_store %arg13[%parallel_loop3A_446, %parallel_loop3A_447, %parallel_loop3A_448], %parallel_loop3A_451 {strides = array<i32>} : memref<2x128x128xf32, #tpu.memory_space<vmem>>, vector<1x1x16xf32>,
        %parallel_loop3A_452 = arith.addf %get3A_309, %parallel_loop3A_441 : vector<16xf32>
        %parallel_loop3A_453 = arith.mulf %parallel_loop3A_437, %get3A_52 : vector<16xf32>
        %parallel_loop3A_454 = arith.addf %parallel_loop3A_452, %parallel_loop3A_453 : vector<16xf32>
        %parallel_loop3A_455 = arith.constant 64 : i32
        %parallel_loop3A_456 = arith.addi %parallel_loop3A_455, %parallel_loop3A_377 : i32
        %parallel_loop3A_457 = arith.constant 1 : i32
        %parallel_loop3A_458 = arith.index_cast %parallel_loop3A_457 : i32 to index
        %parallel_loop3A_459 = arith.index_cast %parallel_loop3A_456 : i32 to index
        %parallel_loop3A_460 = arith.constant 0 : index
        %parallel_loop3A_461 = tpu.vector_load %arg13[%parallel_loop3A_458, %parallel_loop3A_459, %parallel_loop3A_460] {strides = array<i32>} : memref<2x128x128xf32, #tpu.memory_space<vmem>>, vector<1x1x16xf32>,
        %parallel_loop3A_462 = vector.shape_cast %parallel_loop3A_461 : vector<1x1x16xf32> to vector<16xf32>
        %parallel_loop3A_463 = vector.shape_cast %parallel_loop3A_454 : vector<16xf32> to vector<1x1x16xf32>
        tpu.vector_store %arg13[%parallel_loop3A_458, %parallel_loop3A_459, %parallel_loop3A_460], %parallel_loop3A_463 {strides = array<i32>} : memref<2x128x128xf32, #tpu.memory_space<vmem>>, vector<1x1x16xf32>,
        %parallel_loop3A_464 = arith.index_cast %parallel_loop3A_377 : i32 to index
        %parallel_loop3A_465 = arith.constant 16 : index
        %parallel_loop3A_466 = tpu.vector_load %arg8[%parallel_loop3A_464, %parallel_loop3A_465] {strides = array<i32>} : memref<64x128xf32, #tpu.memory_space<vmem>>, vector<1x16xf32>,
        %parallel_loop3A_467 = vector.shape_cast %parallel_loop3A_466 : vector<1x16xf32> to vector<16xf32>
        %parallel_loop3A_468 = arith.addf %get3A_279, %parallel_loop3A_467 : vector<16xf32>
        %parallel_loop3A_469 = arith.mulf %parallel_loop3A_428, %get3A_55 : vector<16xf32>
        %parallel_loop3A_470 = arith.addf %parallel_loop3A_468, %parallel_loop3A_469 : vector<16xf32>
        %parallel_loop3A_471 = arith.constant 1 : i32
        %parallel_loop3A_472 = arith.index_cast %parallel_loop3A_471 : i32 to index
        %parallel_loop3A_473 = arith.index_cast %parallel_loop3A_377 : i32 to index
        %parallel_loop3A_474 = arith.constant 16 : index
        %parallel_loop3A_475 = tpu.vector_load %arg13[%parallel_loop3A_472, %parallel_loop3A_473, %parallel_loop3A_474] {strides = array<i32>} : memref<2x128x128xf32, #tpu.memory_space<vmem>>, vector<1x1x16xf32>,
        %parallel_loop3A_476 = vector.shape_cast %parallel_loop3A_475 : vector<1x1x16xf32> to vector<16xf32>
        %parallel_loop3A_477 = vector.shape_cast %parallel_loop3A_470 : vector<16xf32> to vector<1x1x16xf32>
        tpu.vector_store %arg13[%parallel_loop3A_472, %parallel_loop3A_473, %parallel_loop3A_474], %parallel_loop3A_477 {strides = array<i32>} : memref<2x128x128xf32, #tpu.memory_space<vmem>>, vector<1x1x16xf32>,
        %parallel_loop3A_478 = arith.addf %get3A_315, %parallel_loop3A_467 : vector<16xf32>
        %parallel_loop3A_479 = arith.mulf %parallel_loop3A_437, %get3A_55 : vector<16xf32>
        %parallel_loop3A_480 = arith.addf %parallel_loop3A_478, %parallel_loop3A_479 : vector<16xf32>
        %parallel_loop3A_481 = arith.constant 64 : i32
        %parallel_loop3A_482 = arith.addi %parallel_loop3A_481, %parallel_loop3A_377 : i32
        %parallel_loop3A_483 = arith.constant 1 : i32
        %parallel_loop3A_484 = arith.index_cast %parallel_loop3A_483 : i32 to index
        %parallel_loop3A_485 = arith.index_cast %parallel_loop3A_482 : i32 to index
        %parallel_loop3A_486 = arith.constant 16 : index
        %parallel_loop3A_487 = tpu.vector_load %arg13[%parallel_loop3A_484, %parallel_loop3A_485, %parallel_loop3A_486] {strides = array<i32>} : memref<2x128x128xf32, #tpu.memory_space<vmem>>, vector<1x1x16xf32>,
        %parallel_loop3A_488 = vector.shape_cast %parallel_loop3A_487 : vector<1x1x16xf32> to vector<16xf32>
        %parallel_loop3A_489 = vector.shape_cast %parallel_loop3A_480 : vector<16xf32> to vector<1x1x16xf32>
        tpu.vector_store %arg13[%parallel_loop3A_484, %parallel_loop3A_485, %parallel_loop3A_486], %parallel_loop3A_489 {strides = array<i32>} : memref<2x128x128xf32, #tpu.memory_space<vmem>>, vector<1x1x16xf32>,
        %parallel_loop3A_490 = arith.index_cast %parallel_loop3A_377 : i32 to index
        %parallel_loop3A_491 = arith.constant 32 : index
        %parallel_loop3A_492 = tpu.vector_load %arg8[%parallel_loop3A_490, %parallel_loop3A_491] {strides = array<i32>} : memref<64x128xf32, #tpu.memory_space<vmem>>, vector<1x16xf32>,
        %parallel_loop3A_493 = vector.shape_cast %parallel_loop3A_492 : vector<1x16xf32> to vector<16xf32>
        %parallel_loop3A_494 = arith.addf %get3A_283, %parallel_loop3A_493 : vector<16xf32>
        %parallel_loop3A_495 = arith.mulf %parallel_loop3A_428, %get3A_58 : vector<16xf32>
        %parallel_loop3A_496 = arith.addf %parallel_loop3A_494, %parallel_loop3A_495 : vector<16xf32>
        %parallel_loop3A_497 = arith.constant 1 : i32
        %parallel_loop3A_498 = arith.index_cast %parallel_loop3A_497 : i32 to index
        %parallel_loop3A_499 = arith.index_cast %parallel_loop3A_377 : i32 to index
        %parallel_loop3A_500 = arith.constant 32 : index
        %parallel_loop3A_501 = tpu.vector_load %arg13[%parallel_loop3A_498, %parallel_loop3A_499, %parallel_loop3A_500] {strides = array<i32>} : memref<2x128x128xf32, #tpu.memory_space<vmem>>, vector<1x1x16xf32>,
        %parallel_loop3A_502 = vector.shape_cast %parallel_loop3A_501 : vector<1x1x16xf32> to vector<16xf32>
        %parallel_loop3A_503 = vector.shape_cast %parallel_loop3A_496 : vector<16xf32> to vector<1x1x16xf32>
        tpu.vector_store %arg13[%parallel_loop3A_498, %parallel_loop3A_499, %parallel_loop3A_500], %parallel_loop3A_503 {strides = array<i32>} : memref<2x128x128xf32, #tpu.memory_space<vmem>>, vector<1x1x16xf32>,
        %parallel_loop3A_504 = arith.addf %get3A_321, %parallel_loop3A_493 : vector<16xf32>
        %parallel_loop3A_505 = arith.mulf %parallel_loop3A_437, %get3A_58 : vector<16xf32>
        %parallel_loop3A_506 = arith.addf %parallel_loop3A_504, %parallel_loop3A_505 : vector<16xf32>
        %parallel_loop3A_507 = arith.constant 64 : i32
        %parallel_loop3A_508 = arith.addi %parallel_loop3A_507, %parallel_loop3A_377 : i32
        %parallel_loop3A_509 = arith.constant 1 : i32
        %parallel_loop3A_510 = arith.index_cast %parallel_loop3A_509 : i32 to index
        %parallel_loop3A_511 = arith.index_cast %parallel_loop3A_508 : i32 to index
        %parallel_loop3A_512 = arith.constant 32 : index
        %parallel_loop3A_513 = tpu.vector_load %arg13[%parallel_loop3A_510, %parallel_loop3A_511, %parallel_loop3A_512] {strides = array<i32>} : memref<2x128x128xf32, #tpu.memory_space<vmem>>, vector<1x1x16xf32>,
        %parallel_loop3A_514 = vector.shape_cast %parallel_loop3A_513 : vector<1x1x16xf32> to vector<16xf32>
        %parallel_loop3A_515 = vector.shape_cast %parallel_loop3A_506 : vector<16xf32> to vector<1x1x16xf32>
        tpu.vector_store %arg13[%parallel_loop3A_510, %parallel_loop3A_511, %parallel_loop3A_512], %parallel_loop3A_515 {strides = array<i32>} : memref<2x128x128xf32, #tpu.memory_space<vmem>>, vector<1x1x16xf32>,
        %parallel_loop3A_516 = arith.index_cast %parallel_loop3A_377 : i32 to index
        %parallel_loop3A_517 = arith.constant 48 : index
        %parallel_loop3A_518 = tpu.vector_load %arg8[%parallel_loop3A_516, %parallel_loop3A_517] {strides = array<i32>} : memref<64x128xf32, #tpu.memory_space<vmem>>, vector<1x16xf32>,
        %parallel_loop3A_519 = vector.shape_cast %parallel_loop3A_518 : vector<1x16xf32> to vector<16xf32>
        %parallel_loop3A_520 = arith.addf %get3A_287, %parallel_loop3A_519 : vector<16xf32>
        %parallel_loop3A_521 = arith.mulf %parallel_loop3A_428, %get3A_61 : vector<16xf32>
        %parallel_loop3A_522 = arith.addf %parallel_loop3A_520, %parallel_loop3A_521 : vector<16xf32>
        %parallel_loop3A_523 = arith.constant 1 : i32
        %parallel_loop3A_524 = arith.index_cast %parallel_loop3A_523 : i32 to index
        %parallel_loop3A_525 = arith.index_cast %parallel_loop3A_377 : i32 to index
        %parallel_loop3A_526 = arith.constant 48 : index
        %parallel_loop3A_527 = tpu.vector_load %arg13[%parallel_loop3A_524, %parallel_loop3A_525, %parallel_loop3A_526] {strides = array<i32>} : memref<2x128x128xf32, #tpu.memory_space<vmem>>, vector<1x1x16xf32>,
        %parallel_loop3A_528 = vector.shape_cast %parallel_loop3A_527 : vector<1x1x16xf32> to vector<16xf32>
        %parallel_loop3A_529 = vector.shape_cast %parallel_loop3A_522 : vector<16xf32> to vector<1x1x16xf32>
        tpu.vector_store %arg13[%parallel_loop3A_524, %parallel_loop3A_525, %parallel_loop3A_526], %parallel_loop3A_529 {strides = array<i32>} : memref<2x128x128xf32, #tpu.memory_space<vmem>>, vector<1x1x16xf32>,
        %parallel_loop3A_530 = arith.addf %get3A_327, %parallel_loop3A_519 : vector<16xf32>
        %parallel_loop3A_531 = arith.mulf %parallel_loop3A_437, %get3A_61 : vector<16xf32>
        %parallel_loop3A_532 = arith.addf %parallel_loop3A_530, %parallel_loop3A_531 : vector<16xf32>
        %parallel_loop3A_533 = arith.constant 64 : i32
        %parallel_loop3A_534 = arith.addi %parallel_loop3A_533, %parallel_loop3A_377 : i32
        %parallel_loop3A_535 = arith.constant 1 : i32
        %parallel_loop3A_536 = arith.index_cast %parallel_loop3A_535 : i32 to index
        %parallel_loop3A_537 = arith.index_cast %parallel_loop3A_534 : i32 to index
        %parallel_loop3A_538 = arith.constant 48 : index
        %parallel_loop3A_539 = tpu.vector_load %arg13[%parallel_loop3A_536, %parallel_loop3A_537, %parallel_loop3A_538] {strides = array<i32>} : memref<2x128x128xf32, #tpu.memory_space<vmem>>, vector<1x1x16xf32>,
        %parallel_loop3A_540 = vector.shape_cast %parallel_loop3A_539 : vector<1x1x16xf32> to vector<16xf32>
        %parallel_loop3A_541 = vector.shape_cast %parallel_loop3A_532 : vector<16xf32> to vector<1x1x16xf32>
        tpu.vector_store %arg13[%parallel_loop3A_536, %parallel_loop3A_537, %parallel_loop3A_538], %parallel_loop3A_541 {strides = array<i32>} : memref<2x128x128xf32, #tpu.memory_space<vmem>>, vector<1x1x16xf32>,
        %parallel_loop3A_542 = arith.index_cast %parallel_loop3A_377 : i32 to index
        %parallel_loop3A_543 = arith.constant 64 : index
        %parallel_loop3A_544 = tpu.vector_load %arg8[%parallel_loop3A_542, %parallel_loop3A_543] {strides = array<i32>} : memref<64x128xf32, #tpu.memory_space<vmem>>, vector<1x16xf32>,
        %parallel_loop3A_545 = vector.shape_cast %parallel_loop3A_544 : vector<1x16xf32> to vector<16xf32>
        %parallel_loop3A_546 = arith.addf %get3A_291, %parallel_loop3A_545 : vector<16xf32>
        %parallel_loop3A_547 = arith.mulf %parallel_loop3A_428, %get3A_64 : vector<16xf32>
        %parallel_loop3A_548 = arith.addf %parallel_loop3A_546, %parallel_loop3A_547 : vector<16xf32>
        %parallel_loop3A_549 = arith.constant 1 : i32
        %parallel_loop3A_550 = arith.index_cast %parallel_loop3A_549 : i32 to index
        %parallel_loop3A_551 = arith.index_cast %parallel_loop3A_377 : i32 to index
        %parallel_loop3A_552 = arith.constant 64 : index
        %parallel_loop3A_553 = tpu.vector_load %arg13[%parallel_loop3A_550, %parallel_loop3A_551, %parallel_loop3A_552] {strides = array<i32>} : memref<2x128x128xf32, #tpu.memory_space<vmem>>, vector<1x1x16xf32>,
        %parallel_loop3A_554 = vector.shape_cast %parallel_loop3A_553 : vector<1x1x16xf32> to vector<16xf32>
        %parallel_loop3A_555 = vector.shape_cast %parallel_loop3A_548 : vector<16xf32> to vector<1x1x16xf32>
        tpu.vector_store %arg13[%parallel_loop3A_550, %parallel_loop3A_551, %parallel_loop3A_552], %parallel_loop3A_555 {strides = array<i32>} : memref<2x128x128xf32, #tpu.memory_space<vmem>>, vector<1x1x16xf32>,
        %parallel_loop3A_556 = arith.addf %get3A_333, %parallel_loop3A_545 : vector<16xf32>
        %parallel_loop3A_557 = arith.mulf %parallel_loop3A_437, %get3A_64 : vector<16xf32>
        %parallel_loop3A_558 = arith.addf %parallel_loop3A_556, %parallel_loop3A_557 : vector<16xf32>
        %parallel_loop3A_559 = arith.constant 64 : i32
        %parallel_loop3A_560 = arith.addi %parallel_loop3A_559, %parallel_loop3A_377 : i32
        %parallel_loop3A_561 = arith.constant 1 : i32
        %parallel_loop3A_562 = arith.index_cast %parallel_loop3A_561 : i32 to index
        %parallel_loop3A_563 = arith.index_cast %parallel_loop3A_560 : i32 to index
        %parallel_loop3A_564 = arith.constant 64 : index
        %parallel_loop3A_565 = tpu.vector_load %arg13[%parallel_loop3A_562, %parallel_loop3A_563, %parallel_loop3A_564] {strides = array<i32>} : memref<2x128x128xf32, #tpu.memory_space<vmem>>, vector<1x1x16xf32>,
        %parallel_loop3A_566 = vector.shape_cast %parallel_loop3A_565 : vector<1x1x16xf32> to vector<16xf32>
        %parallel_loop3A_567 = vector.shape_cast %parallel_loop3A_558 : vector<16xf32> to vector<1x1x16xf32>
        tpu.vector_store %arg13[%parallel_loop3A_562, %parallel_loop3A_563, %parallel_loop3A_564], %parallel_loop3A_567 {strides = array<i32>} : memref<2x128x128xf32, #tpu.memory_space<vmem>>, vector<1x1x16xf32>,
        %parallel_loop3A_568 = arith.index_cast %parallel_loop3A_377 : i32 to index
        %parallel_loop3A_569 = arith.constant 80 : index
        %parallel_loop3A_570 = tpu.vector_load %arg8[%parallel_loop3A_568, %parallel_loop3A_569] {strides = array<i32>} : memref<64x128xf32, #tpu.memory_space<vmem>>, vector<1x16xf32>,
        %parallel_loop3A_571 = vector.shape_cast %parallel_loop3A_570 : vector<1x16xf32> to vector<16xf32>
        %parallel_loop3A_572 = arith.addf %get3A_295, %parallel_loop3A_571 : vector<16xf32>
        %parallel_loop3A_573 = arith.mulf %parallel_loop3A_428, %get3A_67 : vector<16xf32>
        %parallel_loop3A_574 = arith.addf %parallel_loop3A_572, %parallel_loop3A_573 : vector<16xf32>
        %parallel_loop3A_575 = arith.constant 1 : i32
        %parallel_loop3A_576 = arith.index_cast %parallel_loop3A_575 : i32 to index
        %parallel_loop3A_577 = arith.index_cast %parallel_loop3A_377 : i32 to index
        %parallel_loop3A_578 = arith.constant 80 : index
        %parallel_loop3A_579 = tpu.vector_load %arg13[%parallel_loop3A_576, %parallel_loop3A_577, %parallel_loop3A_578] {strides = array<i32>} : memref<2x128x128xf32, #tpu.memory_space<vmem>>, vector<1x1x16xf32>,
        %parallel_loop3A_580 = vector.shape_cast %parallel_loop3A_579 : vector<1x1x16xf32> to vector<16xf32>
        %parallel_loop3A_581 = vector.shape_cast %parallel_loop3A_574 : vector<16xf32> to vector<1x1x16xf32>
        tpu.vector_store %arg13[%parallel_loop3A_576, %parallel_loop3A_577, %parallel_loop3A_578], %parallel_loop3A_581 {strides = array<i32>} : memref<2x128x128xf32, #tpu.memory_space<vmem>>, vector<1x1x16xf32>,
        %parallel_loop3A_582 = arith.addf %get3A_339, %parallel_loop3A_571 : vector<16xf32>
        %parallel_loop3A_583 = arith.mulf %parallel_loop3A_437, %get3A_67 : vector<16xf32>
        %parallel_loop3A_584 = arith.addf %parallel_loop3A_582, %parallel_loop3A_583 : vector<16xf32>
        %parallel_loop3A_585 = arith.constant 64 : i32
        %parallel_loop3A_586 = arith.addi %parallel_loop3A_585, %parallel_loop3A_377 : i32
        %parallel_loop3A_587 = arith.constant 1 : i32
        %parallel_loop3A_588 = arith.index_cast %parallel_loop3A_587 : i32 to index
        %parallel_loop3A_589 = arith.index_cast %parallel_loop3A_586 : i32 to index
        %parallel_loop3A_590 = arith.constant 80 : index
        %parallel_loop3A_591 = tpu.vector_load %arg13[%parallel_loop3A_588, %parallel_loop3A_589, %parallel_loop3A_590] {strides = array<i32>} : memref<2x128x128xf32, #tpu.memory_space<vmem>>, vector<1x1x16xf32>,
        %parallel_loop3A_592 = vector.shape_cast %parallel_loop3A_591 : vector<1x1x16xf32> to vector<16xf32>
        %parallel_loop3A_593 = vector.shape_cast %parallel_loop3A_584 : vector<16xf32> to vector<1x1x16xf32>
        tpu.vector_store %arg13[%parallel_loop3A_588, %parallel_loop3A_589, %parallel_loop3A_590], %parallel_loop3A_593 {strides = array<i32>} : memref<2x128x128xf32, #tpu.memory_space<vmem>>, vector<1x1x16xf32>,
        %parallel_loop3A_594 = arith.index_cast %parallel_loop3A_377 : i32 to index
        %parallel_loop3A_595 = arith.constant 96 : index
        %parallel_loop3A_596 = tpu.vector_load %arg8[%parallel_loop3A_594, %parallel_loop3A_595] {strides = array<i32>} : memref<64x128xf32, #tpu.memory_space<vmem>>, vector<1x16xf32>,
        %parallel_loop3A_597 = vector.shape_cast %parallel_loop3A_596 : vector<1x16xf32> to vector<16xf32>
        %parallel_loop3A_598 = arith.addf %get3A_299, %parallel_loop3A_597 : vector<16xf32>
        %parallel_loop3A_599 = arith.mulf %parallel_loop3A_428, %get3A_70 : vector<16xf32>
        %parallel_loop3A_600 = arith.addf %parallel_loop3A_598, %parallel_loop3A_599 : vector<16xf32>
        %parallel_loop3A_601 = arith.constant 1 : i32
        %parallel_loop3A_602 = arith.index_cast %parallel_loop3A_601 : i32 to index
        %parallel_loop3A_603 = arith.index_cast %parallel_loop3A_377 : i32 to index
        %parallel_loop3A_604 = arith.constant 96 : index
        %parallel_loop3A_605 = tpu.vector_load %arg13[%parallel_loop3A_602, %parallel_loop3A_603, %parallel_loop3A_604] {strides = array<i32>} : memref<2x128x128xf32, #tpu.memory_space<vmem>>, vector<1x1x16xf32>,
        %parallel_loop3A_606 = vector.shape_cast %parallel_loop3A_605 : vector<1x1x16xf32> to vector<16xf32>
        %parallel_loop3A_607 = vector.shape_cast %parallel_loop3A_600 : vector<16xf32> to vector<1x1x16xf32>
        tpu.vector_store %arg13[%parallel_loop3A_602, %parallel_loop3A_603, %parallel_loop3A_604], %parallel_loop3A_607 {strides = array<i32>} : memref<2x128x128xf32, #tpu.memory_space<vmem>>, vector<1x1x16xf32>,
        %parallel_loop3A_608 = arith.addf %get3A_345, %parallel_loop3A_597 : vector<16xf32>
        %parallel_loop3A_609 = arith.mulf %parallel_loop3A_437, %get3A_70 : vector<16xf32>
        %parallel_loop3A_610 = arith.addf %parallel_loop3A_608, %parallel_loop3A_609 : vector<16xf32>
        %parallel_loop3A_611 = arith.constant 64 : i32
        %parallel_loop3A_612 = arith.addi %parallel_loop3A_611, %parallel_loop3A_377 : i32
        %parallel_loop3A_613 = arith.constant 1 : i32
        %parallel_loop3A_614 = arith.index_cast %parallel_loop3A_613 : i32 to index
        %parallel_loop3A_615 = arith.index_cast %parallel_loop3A_612 : i32 to index
        %parallel_loop3A_616 = arith.constant 96 : index
        %parallel_loop3A_617 = tpu.vector_load %arg13[%parallel_loop3A_614, %parallel_loop3A_615, %parallel_loop3A_616] {strides = array<i32>} : memref<2x128x128xf32, #tpu.memory_space<vmem>>, vector<1x1x16xf32>,
        %parallel_loop3A_618 = vector.shape_cast %parallel_loop3A_617 : vector<1x1x16xf32> to vector<16xf32>
        %parallel_loop3A_619 = vector.shape_cast %parallel_loop3A_610 : vector<16xf32> to vector<1x1x16xf32>
        tpu.vector_store %arg13[%parallel_loop3A_614, %parallel_loop3A_615, %parallel_loop3A_616], %parallel_loop3A_619 {strides = array<i32>} : memref<2x128x128xf32, #tpu.memory_space<vmem>>, vector<1x1x16xf32>,
        %parallel_loop3A_620 = arith.index_cast %parallel_loop3A_377 : i32 to index
        %parallel_loop3A_621 = arith.constant 112 : index
        %parallel_loop3A_622 = tpu.vector_load %arg8[%parallel_loop3A_620, %parallel_loop3A_621] {strides = array<i32>} : memref<64x128xf32, #tpu.memory_space<vmem>>, vector<1x16xf32>,
        %parallel_loop3A_623 = vector.shape_cast %parallel_loop3A_622 : vector<1x16xf32> to vector<16xf32>
        %parallel_loop3A_624 = arith.addf %get3A_303, %parallel_loop3A_623 : vector<16xf32>
        %parallel_loop3A_625 = arith.mulf %parallel_loop3A_428, %get3A_73 : vector<16xf32>
        %parallel_loop3A_626 = arith.addf %parallel_loop3A_624, %parallel_loop3A_625 : vector<16xf32>
        %parallel_loop3A_627 = arith.constant 1 : i32
        %parallel_loop3A_628 = arith.index_cast %parallel_loop3A_627 : i32 to index
        %parallel_loop3A_629 = arith.index_cast %parallel_loop3A_377 : i32 to index
        %parallel_loop3A_630 = arith.constant 112 : index
        %parallel_loop3A_631 = tpu.vector_load %arg13[%parallel_loop3A_628, %parallel_loop3A_629, %parallel_loop3A_630] {strides = array<i32>} : memref<2x128x128xf32, #tpu.memory_space<vmem>>, vector<1x1x16xf32>,
        %parallel_loop3A_632 = vector.shape_cast %parallel_loop3A_631 : vector<1x1x16xf32> to vector<16xf32>
        %parallel_loop3A_633 = vector.shape_cast %parallel_loop3A_626 : vector<16xf32> to vector<1x1x16xf32>
        tpu.vector_store %arg13[%parallel_loop3A_628, %parallel_loop3A_629, %parallel_loop3A_630], %parallel_loop3A_633 {strides = array<i32>} : memref<2x128x128xf32, #tpu.memory_space<vmem>>, vector<1x1x16xf32>,
        %parallel_loop3A_634 = arith.addf %get3A_351, %parallel_loop3A_623 : vector<16xf32>
        %parallel_loop3A_635 = arith.mulf %parallel_loop3A_437, %get3A_73 : vector<16xf32>
        %parallel_loop3A_636 = arith.addf %parallel_loop3A_634, %parallel_loop3A_635 : vector<16xf32>
        %parallel_loop3A_637 = arith.constant 64 : i32
        %parallel_loop3A_638 = arith.addi %parallel_loop3A_637, %parallel_loop3A_377 : i32
        %parallel_loop3A_639 = arith.constant 1 : i32
        %parallel_loop3A_640 = arith.index_cast %parallel_loop3A_639 : i32 to index
        %parallel_loop3A_641 = arith.index_cast %parallel_loop3A_638 : i32 to index
        %parallel_loop3A_642 = arith.constant 112 : index
        %parallel_loop3A_643 = tpu.vector_load %arg13[%parallel_loop3A_640, %parallel_loop3A_641, %parallel_loop3A_642] {strides = array<i32>} : memref<2x128x128xf32, #tpu.memory_space<vmem>>, vector<1x1x16xf32>,
        %parallel_loop3A_644 = vector.shape_cast %parallel_loop3A_643 : vector<1x1x16xf32> to vector<16xf32>
        %parallel_loop3A_645 = vector.shape_cast %parallel_loop3A_636 : vector<16xf32> to vector<1x1x16xf32>
        tpu.vector_store %arg13[%parallel_loop3A_640, %parallel_loop3A_641, %parallel_loop3A_642], %parallel_loop3A_645 {strides = array<i32>} : memref<2x128x128xf32, #tpu.memory_space<vmem>>, vector<1x1x16xf32>,
      } {sc.loop_unroll_factor = 2 : i64, sc.parallel_access}
      %add3A_359 = arith.addi %mul3A_32, %add3A_262 : i32
      %mul3A_360 = arith.constant 64 : i32
      %mul3A_361 = arith.muli %add3A_359, %mul3A_360 : i32
      %dma_start3A_362 = arith.constant 1 : i32
      %dma_start3A_363 = arith.constant 0 : i32
      %dma_start3A_364 = arith.constant 0 : i32
      %dma_start3A_365 = tpu.memref_slice %arg13[%dma_start3A_362, %dma_start3A_363, %dma_start3A_364] : memref<2x128x128xf32, #tpu.memory_space<vmem>> -> memref<1x128x128xf32, #tpu.memory_space<vmem>>
      %dma_start3A_366 = tpu.memref_squeeze %dma_start3A_365 : memref<1x128x128xf32, #tpu.memory_space<vmem>> -> memref<128x128xf32, #tpu.memory_space<vmem>>
      %dma_start3A_367 = arith.constant 0 : i32
      %dma_start3A_368 = tpu.memref_slice %arg7[%select_n3A, %mul3A_361, %dma_start3A_367] : memref<4x65536x128xf32, #tpu.memory_space<hbm>> -> memref<1x128x128xf32, #tpu.memory_space<hbm>>
      %dma_start3A_369 = tpu.memref_squeeze %dma_start3A_368 : memref<1x128x128xf32, #tpu.memory_space<hbm>> -> memref<128x128xf32, #tpu.memory_space<hbm>>
      %dma_start3A_370 = arith.constant 0 : i32
      %dma_start3A_371 = tpu.memref_slice %arg7[%select_n3A, %mul3A_361, %dma_start3A_370] : memref<4x65536x128xf32, #tpu.memory_space<hbm>> -> memref<1x128x128xf32, #tpu.memory_space<hbm>>
      %dma_start3A_372 = tpu.memref_squeeze %dma_start3A_371 : memref<1x128x128xf32, #tpu.memory_space<hbm>> -> memref<128x128xf32, #tpu.memory_space<hbm>>
      %dma_start3A_373 = arith.constant 0 : i32
      %dma_start3A_374 = arith.constant 0 : i32
      %dma_start3A_375 = tpu.memref_slice %arg13[%dma_start3A_362, %dma_start3A_373, %dma_start3A_374] : memref<2x128x128xf32, #tpu.memory_space<vmem>> -> memref<1x128x128xf32, #tpu.memory_space<vmem>>
      %dma_start3A_376 = tpu.memref_squeeze %dma_start3A_375 : memref<1x128x128xf32, #tpu.memory_space<vmem>> -> memref<128x128xf32, #tpu.memory_space<vmem>>
      tpu.enqueue_dma source(%dma_start3A_376 : memref<128x128xf32, #tpu.memory_space<vmem>>) target(%dma_start3A_372 : memref<128x128xf32, #tpu.memory_space<hbm>>) target_semaphore(%arg15 : memref<!tpu.dma_semaphore, #tpu.memory_space<semaphore_mem>>)
    }
    %scan3A_108 = arith.constant 32 : i32
    %dma_wait3A_109 = arith.constant 0 : i32
    %dma_wait3A_110 = arith.constant 0 : i32
    %dma_wait3A_111 = arith.constant 0 : i32
    %dma_wait3A_112 = arith.constant 0 : i32
    %dma_wait3A_113 = tpu.memref_slice %arg13[%dma_wait3A_109, %dma_wait3A_111, %dma_wait3A_112] : memref<2x128x128xf32, #tpu.memory_space<vmem>> -> memref<1x128x128xf32, #tpu.memory_space<vmem>>
    %dma_wait3A_114 = tpu.memref_squeeze %dma_wait3A_113 : memref<1x128x128xf32, #tpu.memory_space<vmem>> -> memref<128x128xf32, #tpu.memory_space<vmem>>
    %dma_wait3A_115 = arith.constant 0 : i32
    %dma_wait3A_116 = arith.constant 0 : i32
    %dma_wait3A_117 = tpu.memref_slice %arg7[%dma_wait3A_110, %dma_wait3A_115, %dma_wait3A_116] : memref<4x65536x128xf32, #tpu.memory_space<hbm>> -> memref<1x128x128xf32, #tpu.memory_space<hbm>>
    %dma_wait3A_118 = tpu.memref_squeeze %dma_wait3A_117 : memref<1x128x128xf32, #tpu.memory_space<hbm>> -> memref<128x128xf32, #tpu.memory_space<hbm>>
    %dma_wait3A_119 = arith.constant 0 : i32
    %dma_wait3A_120 = arith.constant 0 : i32
    %dma_wait3A_121 = tpu.memref_slice %arg7[%dma_wait3A_110, %dma_wait3A_119, %dma_wait3A_120] : memref<4x65536x128xf32, #tpu.memory_space<hbm>> -> memref<1x128x128xf32, #tpu.memory_space<hbm>>
    %dma_wait3A_122 = tpu.memref_squeeze %dma_wait3A_121 : memref<1x128x128xf32, #tpu.memory_space<hbm>> -> memref<128x128xf32, #tpu.memory_space<hbm>>
    %dma_wait3A_123 = arith.constant 0 : i32
    %dma_wait3A_124 = arith.constant 0 : i32
    %dma_wait3A_125 = tpu.memref_slice %arg13[%dma_wait3A_109, %dma_wait3A_123, %dma_wait3A_124] : memref<2x128x128xf32, #tpu.memory_space<vmem>> -> memref<1x128x128xf32, #tpu.memory_space<vmem>>
    %dma_wait3A_126 = tpu.memref_squeeze %dma_wait3A_125 : memref<1x128x128xf32, #tpu.memory_space<vmem>> -> memref<128x128xf32, #tpu.memory_space<vmem>>
    tpu.wait_dma2 semaphore(%arg14 : memref<!tpu.dma_semaphore, #tpu.memory_space<semaphore_mem>>) src(%dma_wait3A_126 : memref<128x128xf32, #tpu.memory_space<vmem>>) dst(%dma_wait3A_122 : memref<128x128xf32, #tpu.memory_space<hbm>>)
    %dma_wait3A_127 = arith.constant 1 : i32
    %dma_wait3A_128 = arith.constant 0 : i32
    %dma_wait3A_129 = arith.constant 0 : i32
    %dma_wait3A_130 = arith.constant 0 : i32
    %dma_wait3A_131 = tpu.memref_slice %arg13[%dma_wait3A_127, %dma_wait3A_129, %dma_wait3A_130] : memref<2x128x128xf32, #tpu.memory_space<vmem>> -> memref<1x128x128xf32, #tpu.memory_space<vmem>>
    %dma_wait3A_132 = tpu.memref_squeeze %dma_wait3A_131 : memref<1x128x128xf32, #tpu.memory_space<vmem>> -> memref<128x128xf32, #tpu.memory_space<vmem>>
    %dma_wait3A_133 = arith.constant 0 : i32
    %dma_wait3A_134 = arith.constant 0 : i32
    %dma_wait3A_135 = tpu.memref_slice %arg7[%dma_wait3A_128, %dma_wait3A_133, %dma_wait3A_134] : memref<4x65536x128xf32, #tpu.memory_space<hbm>> -> memref<1x128x128xf32, #tpu.memory_space<hbm>>
    %dma_wait3A_136 = tpu.memref_squeeze %dma_wait3A_135 : memref<1x128x128xf32, #tpu.memory_space<hbm>> -> memref<128x128xf32, #tpu.memory_space<hbm>>
    %dma_wait3A_137 = arith.constant 0 : i32
    %dma_wait3A_138 = arith.constant 0 : i32
    %dma_wait3A_139 = tpu.memref_slice %arg7[%dma_wait3A_128, %dma_wait3A_137, %dma_wait3A_138] : memref<4x65536x128xf32, #tpu.memory_space<hbm>> -> memref<1x128x128xf32, #tpu.memory_space<hbm>>
    %dma_wait3A_140 = tpu.memref_squeeze %dma_wait3A_139 : memref<1x128x128xf32, #tpu.memory_space<hbm>> -> memref<128x128xf32, #tpu.memory_space<hbm>>
    %dma_wait3A_141 = arith.constant 0 : i32
    %dma_wait3A_142 = arith.constant 0 : i32
    %dma_wait3A_143 = tpu.memref_slice %arg13[%dma_wait3A_127, %dma_wait3A_141, %dma_wait3A_142] : memref<2x128x128xf32, #tpu.memory_space<vmem>> -> memref<1x128x128xf32, #tpu.memory_space<vmem>>
    %dma_wait3A_144 = tpu.memref_squeeze %dma_wait3A_143 : memref<1x128x128xf32, #tpu.memory_space<vmem>> -> memref<128x128xf32, #tpu.memory_space<vmem>>
    tpu.wait_dma2 semaphore(%arg15 : memref<!tpu.dma_semaphore, #tpu.memory_space<semaphore_mem>>) src(%dma_wait3A_144 : memref<128x128xf32, #tpu.memory_space<vmem>>) dst(%dma_wait3A_140 : memref<128x128xf32, #tpu.memory_space<hbm>>)
    return
  }
}

</mosaic_0001>

<sc_bundles>
// kernel: kernel.3.cloned.1.call-start
scs
__scs_entry_jumppad:
0x0: {  	(pc) =	sbr.rel $0x88, $3  }
0x1: {  	(tag) =	ssettag $0x0;
	lr =	simm.s32 $0x1  }
0x2: {  	[smem:$0x3F9C] =	sst lr;
	_ =	strace $0xD0000000  }
0x3: {  	_ = 	snop  }
0x4: {  	_ = 	snop  }
0x5: {  	_ = 	snop  }
0x6: {  	_ = 	snop  }
0x7: {  	_ = 	snop  }
__scs_overlays_trampoline_lowered:
0x8: {  	[smem:$0x3FAB] =	sst s0  }
0x9: {  	[smem:$0x3FAC] =	sst s1  }
0xa: {  	[smem:$0x3FAD] =	sst s2  }
0xb: {  	[smem:$0x3FAE] =	sst s3  }
0xc: {  	[smem:$0x3FAF] =	sst s4  }
0xd: {  	[smem:$0x3FB0] =	sst s5  }
0xe: {  	[smem:$0x3FB1] =	sst s6  }
0xf: {  	[smem:$0x3FB2] =	sst s7  }
0x10: {  	[smem:$0x3FB3] =	sst s8  }
0x11: {  	[smem:$0x3FB4] =	sst s9;
	s0 =	simm.s32 @!p0 $0x0  }
0x12: {  	s1 =	sld [smem:$0x3F9A];
	s0 =	simm.s32 @p0 $0x1  }
0x13: {  	[smem:$0x3FB5] =	sst s0;
	s0 =	simm.s32 @!p1 $0x0  }
0x14: {  	s2 =	sld [smem:$0x3F99];
	s0 =	simm.s32 @p1 $0x1  }
0x15: {  	[smem:$0x3FB6] =	sst s0;
	s0 =	simm.s32 @!p2 $0x0  }
0x16: {  	s3 =	sld [smem:$0x3FDB];
	s0 =	simm.s32 @p2 $0x1  }
0x17: {  	s4 =	simm.s32 $0x1BF5;
	[smem:$0x3FB8] =	sst s0  }
0x18: {  	s0 =	sld [smem:$0x3F9B];
	_ =	swait.ge [sflag:s4], $0x0  }
0x19: {  	s7 =	sld [smem:$0x3F9C]  }
0x1a: {  	s8 =	sadd.s32 $0xFFFFE003, lr  }
0x1b: {  	s9 =	sadd.s32 $0xFFFFFEF7, lr;
	s5 =	simm.s32 $0xFFFFFFFF;
	p2 =	slt.u32 s8, $0xFFFFF086  }
0x1c: {  	p1 =	slt.u32 s9, $0xF7A;
	s5 =	simm.s32 @!p2 $0x0  }
0x1d: {  	s5 =	simm.s32 @p1 $0x1;
	p0 =	seq.s32 s7, s2  }
0x1e: {  	s7 =	smul.u32 @!p0 $0xF7A, s2;
	p2 =	seq.s32 @!p0 s5, $0x0  }
0x1f: {  	s9 =	smul.u32 $0xF7A, s1;
	s8 =	simm.s32 @!p0 $0x1BF5;
	p2 =	por !p2, p0  }
0x20: {  	[sflag:s8] =	ssyncset.s32 @!p0 $0xFFFFF086;
	s6 =	sadd.s32 @!p0 s3, s7;
	s7 =	simm.s32 @!p0 $0x108  }
0x21: {  	s3 =	sadd.s32 s3, s9;
	s6 =	sadd.s32 @!p0 $0x88, s6;
	s7 =	simm.s32 @p2 $0x1082  }
0x22: {  	[simem:s7], [sflag:s8] =	dma.local @!p0 [hbm:s6], $0xF7A  }
0x23: {  	s9 =	sor.u32 $0xD0000000, s2;
	s6 =	simm.s32 $0x108;
	_ =	swait.ge @!p0 [sflag:s8], $0x0  }
0x24: {  	s3 =	sadd.s32 $0x88, s3;
	s6 =	simm.s32 @!p1 $0x1082;
	[sflag:s4] =	ssyncset.s32 $0xFFFFF086  }
0x25: {  	[simem:s6], [sflag:s4] =	dma.local [hbm:s3], $0xF7A  }
0x26: {  	[smem:$0x3F9C] =	sst s1;
	(tag) =	ssettag s2;
	_ =	strace s9  }
0x27: {  	s1 =	sld [smem:$0x3FAC]  }
0x28: {  	s2 =	sld [smem:$0x3FAD]  }
0x29: {  	s4 =	sld [smem:$0x3FAF]  }
0x2a: {  	p0 =	seq.s32 s5, $0x0;
	s5 =	sld [smem:$0x3FB0]  }
0x2b: {  	s6 =	sld [smem:$0x3FB1]  }
0x2c: {  	s7 =	sld [smem:$0x3FB2]  }
0x2d: {  	s3 =	simm.s32 $0x108;
	s8 =	sld [smem:$0x3FB3]  }
0x2e: {  	s3 =	simm.s32 @!p0 $0x1082;
	s9 =	sld [smem:$0x3FB4]  }
0x2f: {  	lr =	sadd.s32 s0, s3;
	s0 =	sld [smem:$0x3FAB]  }
0x30: {  	s3 =	sld [smem:$0x3FAE]  }
0x31: {  	[smem:$0x3FB7] =	sst s10  }
0x32: {  	s10 =	sld [smem:$0x3FB5];
	_ =	sdelay $0x3  }
0x33: {  	p0 =	seq.s32 s10, $0x1;
	s10 =	sld [smem:$0x3FB7];
	_ =	sdelay $0x3  }
0x34: {  	[smem:$0x3FB7] =	sst s10  }
0x35: {  	s10 =	sld [smem:$0x3FB6];
	_ =	sdelay $0x3  }
0x36: {  	p1 =	seq.s32 s10, $0x1;
	s10 =	sld [smem:$0x3FB7];
	_ =	sdelay $0x3  }
0x37: {  	[smem:$0x3FB7] =	sst s10  }
0x38: {  	s10 =	sld [smem:$0x3FB8]  }
0x39: {  	_ = 	snop;
	(pc) =	sbr.ind lr, $3  }
0x3a: {  	_ = 	snop  }
0x3b: {  	_ = 	snop  }
0x3c: {  	p2 =	seq.s32 s10, $0x1;
	s10 =	sld [smem:$0x3FB7]  }
0x3d: {  	_ =	shalt  }
0x3e: {  	_ =	shalt  }
0x3f: {  	_ =	shalt  }
0x40: {  	_ =	shalt  }
0x41: {  	_ =	shalt  }
0x42: {  	_ =	shalt  }
0x43: {  	_ =	shalt  }
0x44: {  	_ =	shalt  }
0x45: {  	_ =	shalt  }
0x46: {  	_ =	shalt  }
0x47: {  	_ =	shalt  }
0x48: {  	_ =	shalt  }
0x49: {  	_ =	shalt  }
0x4a: {  	_ =	shalt  }
0x4b: {  	_ =	shalt  }
0x4c: {  	_ =	shalt  }
0x4d: {  	_ =	shalt  }
0x4e: {  	_ =	shalt  }
0x4f: {  	_ =	shalt  }
0x50: {  	_ =	shalt  }
0x51: {  	_ =	shalt  }
0x52: {  	_ =	shalt  }
0x53: {  	_ =	shalt  }
0x54: {  	_ =	shalt  }
0x55: {  	_ =	shalt  }
0x56: {  	_ =	shalt  }
0x57: {  	_ =	shalt  }
0x58: {  	_ =	shalt  }
0x59: {  	_ =	shalt  }
0x5a: {  	_ =	shalt  }
0x5b: {  	_ =	shalt  }
0x5c: {  	_ =	shalt  }
0x5d: {  	_ =	shalt  }
0x5e: {  	_ =	shalt  }
0x5f: {  	_ =	shalt  }
0x60: {  	_ =	shalt  }
0x61: {  	_ =	shalt  }
0x62: {  	_ =	shalt  }
0x63: {  	_ =	shalt  }
0x64: {  	_ =	shalt  }
0x65: {  	_ =	shalt  }
0x66: {  	_ =	shalt  }
0x67: {  	_ =	shalt  }
0x68: {  	_ =	shalt  }
0x69: {  	_ =	shalt  }
0x6a: {  	_ =	shalt  }
0x6b: {  	_ =	shalt  }
0x6c: {  	_ =	shalt  }
0x6d: {  	_ =	shalt  }
0x6e: {  	_ =	shalt  }
0x6f: {  	_ =	shalt  }
0x70: {  	_ =	shalt  }
0x71: {  	_ =	shalt  }
0x72: {  	_ =	shalt  }
0x73: {  	_ =	shalt  }
0x74: {  	_ =	shalt  }
0x75: {  	_ =	shalt  }
0x76: {  	_ =	shalt  }
0x77: {  	_ =	shalt  }
0x78: {  	_ =	shalt  }
0x79: {  	_ =	shalt  }
0x7a: {  	_ =	shalt  }
0x7b: {  	_ =	shalt  }
0x7c: {  	_ =	shalt  }
0x7d: {  	_ =	shalt  }
0x7e: {  	_ =	shalt  }
0x7f: {  	_ =	shalt  }
0x80: {  	_ =	shalt  }
0x81: {  	_ =	shalt  }
0x82: {  	_ =	shalt  }
0x83: {  	_ =	shalt  }
0x84: {  	_ =	shalt  }
0x85: {  	_ =	shalt  }
0x86: {  	_ =	shalt  }
0x87: {  	_ =	shalt  }
.Lfunc_end0:
.L_simem_size_0:
called_computation_lowered:
.L_overlay_start_0:
0x88: {  	s2 =	sld [smem:$0x3FD9]  }
0x89: {  	s3 =	sld [smem:$0x3FFE];
	_ =	sdelay $0x1  }
0x8a: {  	s1 =	srdreg.scid  }
0x8b: {  	s0 =	sand.u32 $0x1, s1  }
0x8c: {  	s17 =	sshll.u32 s0, $0xA;
	s2 =	sadd.s32 s3, s2  }
0x8d: {  	s2 =	sadd.s32 s2, s17  }
0x8e: {  	[smem:$0x3FC3] =	sst s2  }
0x8f: {  	_ = 	snop  }
0x90: {  	s2 =	sld [smem:$0x3FC8]  }
0x91: {  	s18 =	sld [smem:$0x3FC7]  }
0x92: {  	s4 =	sld [smem:$0x3FC6]  }
0x93: {  	s5 =	sld [smem:$0x3FC5]  }
0x94: {  	s6 =	sld [smem:$0x3FD0];
	(tm) =	ssettm $0x1  }
0x95: {  	s7 =	sld [smem:$0x3FFB];
	_ =	sdelay $0x3  }
0x96: {  	_ =	strace s7  }
0x97: {  	s7 =	sld [smem:$0x3FFC];
	_ =	sdelay $0x3  }
0x98: {  	_ =	strace s7  }
0x99: {  	s7 =	sld [smem:$0x3FFD];
	_ =	sdelay $0x3  }
0x9a: {  	_ =	strace s7  }
0x9b: {  	_ =	strace $0x8FFFFFFF  }
0x9c: {  	s19 =	sld [smem:$0x3FDB];
	_ =	sdelay $0x1  }
0x9d: {  	s8 =	simm.s32 $_scs_section_size  }
0x9e: {  	s9 =	simm.s32 $_size__tile_overlayer_lowered;
	s10 =	simm.s32 $_tile_overlayer_lowered  }
0x9f: {  	s22 =	simm.s32 $0x1BFF;
	s21 =	sshll.u32 s10, $0x1;
	s7 =	sadd.s32 s8, s19  }
0xa0: {  	s11 =	simm.s32 $0x0;
	s20 =	sshll.u32 s9, $0x1;
	s9 =	sadd.s32 s21, s7  }
0xa1: {  	[timem:s11], [sflag:s22] =	dma.local [hbm:s9], s20  }
0xa2: {  	_ =	swait.ge [sflag:s22], s20  }
0xa3: {  	s8 =	ssub.s32 $0x0, s20;
	[sflag:s22] =	ssyncset.done $0x0  }
0xa4: {  	[sflag:s22] =	ssyncadd.s32 s8;
	_ =	sdelay $0x1  }
0xa5: {  	s23 =	simm.s32 $0x1B8B  }
0xa6: {  	_ =	swait.ge [sflag:s23], $0x1  }
0xa7: {  	[sflag:s23] =	ssyncset.done $0x0  }
0xa8: {  	s25 =	simm.s32 $0x1B8E;
	s24 =	sld [smem:$0x3FFE];
	[sflag:s23] =	ssyncadd.s32 $0xFFFFFFFF  }
0xa9: {  	s26 =	simm.s32 $execute0_lowered;
	[smem:$0x3FD2] =	sst s25  }
0xaa: {  	s9 =	sshll.u32 s26, $0x1;
	_ =	strace $0x80000046;
	[dreg:$0x1] =	wrdreg $0xFFFFFFFF  }
0xab: {  	s28 =	simm.s32 $_size_execute0_lowered;
	s7 =	sadd.s32 s7, s9;
	[dreg:$0x0] =	wrdreg $0x0  }
0xac: {  	s9 =	sshll.u32 s28, $0x1;
	[dreg:$0x2] =	wrdreg s7  }
0xad: {  	[dreg:$0x3] =	wrdreg s9  }
0xae: {  	[dreg:$0x4] =	wrdreg $0xC0  }
0xaf: {  	_ =	task [dreg:s11], $0x5FFFF  }
0xb0: {  	[dreg:$0x1] =	wrdreg $0xFFFFFFFF  }
0xb1: {  	[dreg:$0x0] =	wrdreg $0x60  }
0xb2: {  	[dreg:$0x2] =	wrdreg s24  }
0xb3: {  	[dreg:$0x3] =	wrdreg s2  }
0xb4: {  	[dreg:$0x4] =	wrdreg s18  }
0xb5: {  	[dreg:$0x5] =	wrdreg s4  }
0xb6: {  	[dreg:$0x6] =	wrdreg s5  }
0xb7: {  	[dreg:$0x7] =	wrdreg s6  }
0xb8: {  	[dreg:$0x8] =	wrdreg $0x9  }
0xb9: {  	_ =	task.clear_ibuf [dreg:s11], $0x9FFFF;
	_ =	strace $0x90000046  }
0xba: {  	s29 =	simm.s32 $0x9;
	_ =	strace $0x80000048  }
0xbb: {  	_ =	swait.ge [sflag:s29], $0x1  }
0xbc: {  	[sflag:s29] =	ssyncadd.s32 $0xFFFFFFFF  }
0xbd: {  	_ =	strace $0x90000048  }
0xbe: {  	_ =	sfence  }
0xbf: {  	s30 =	sld [smem:$0x0];
	_ =	sdelay $0x2  }
0xc0: {  	s31 =	sshll.u32 s1, $0xD;
	s1 =	sshrl.u32 s1, $0x2  }
0xc1: {  	s3 =	sand.u32 $0x4000, s31;
	s1 =	sadd.s32 s1, s30  }
0xc2: {  	s0 =	sor.u32 s3, s0;
	s1 =	sshll.u32 s1, $0x11  }
0xc3: {  	s0 =	sor.u32 s1, s0  }
0xc4: {  	s0 =	sadd.s32 $0x8F2B, s0  }
0xc5: {  	[sflag:s0] =	ssyncadd.remote.s32 $0x1  }
0xc6: {  	_ =	sfence.sel $0xFFFF  }
0xc7: {  	[dreg:$0x0] =	wrdreg $0xFFFFFFFF;
	(pc) =	sbr.abs _section_cstart, $3  }
0xc8: {  	[dreg:$0x1] =	wrdreg $0xFFFFFFFF  }
0xc9: {  	_ =	task.clear_ibuf [dreg:s11], $0x2FFFF;
	_ =	strace $0x9FFFFFFF  }
0xca: {  	(tm) =	ssettm $0x7FFFFFFF  }
0xcb: {  	_ =	shalt  }
tec
execute0_lowered:
.L_overlay_start_1:
0x0: {  	(tag) =	ssettag $0x1  }
0x1: {  	s0 =	rddreg [dreg:$0x0]  }
0x2: {  	s1 =	rddreg [dreg:$0x1]  }
0x3: {  	s5 =	rddreg [dreg:$0x5]  }
0x4: {  	s6 =	simm.s32 $0x0;
	s3 =	stileid.u32;
	s2 =	srdreg.scid  }
0x5: {  	s13 =	simm.s32 $0xA080;
	s14 =	simm.s32 $0x2000;
	s15 =	simm.s32 $0x6000  }
0x6: {  	s16 =	simm.s32 $0x1;
	s17 =	simm.s32 $0x2;
	s18 =	simm.s32 $0xA100  }
0x7: {  	s19 =	simm.s32 $0xE100;
	s20 =	simm.s32 $0x0;
	[smem:$0x7FF] =	sst s6  }
0x8: {  	s2 =	sand.u32 $0x1, s2;
	s4 =	sshll.u32 s3, $0x1;
	s10 =	sshrl.u32 s3, $0x2  }
0x9: {  	_ =	strace $0x80000047;
	s7 =	ssub.s32 $0x2, s2;
	s4 =	sand.u32 $0x6, s4  }
0xa: {  	s8 =	sshll.u32 s10, $0xE;
	s10 =	sshll.u32 s10, $0x17;
	s2 =	sor.u32 s2, s4  }
0xb: {  	s9 =	sshrl.u32 s7, $0x1;
	s0 =	sadd.s32 s8, s0;
	s31 =	sshll.u32 s2, $0xB  }
0xc: {  	s30 =	ssub.s32 s7, s9;
	s7 =	sshll.u32 s2, $0x7;
	s0 =	sadd.s32 s31, s0  }
0xd: {  	s8 =	sadd.s32 s1, s31;
	s11 =	smax.u32 s30, $0x1;
	s9 =	sadd.s32 $0x400, s0  }
.LBB2_1:
0xe: {  	s0 =	rddreg [dreg:$0x2]  }
0xf: {  	[tilespmem:s6], [sflag:$0x1] =	stream.linear.gather [hbm4b:s0+s6], $0x2000, $0x38;
	[tilespmem:$0x12100] =	vst v63  }
0x10: {  	s30 =	rddreg [dreg:$0x3];
	s1 =	simm.s32 $0xA000  }
0x11: {  	[tilespmem:s1], [sflag:$0x1] =	stream.linear.gather [hbm4b:s30+s6], $0x80, $0x38;
	[tilespmem:$0x12100] =	vst v63  }
0x12: {  	s31 =	rddreg [dreg:$0x4]  }
0x13: {  	[tilespmem:s13], [sflag:$0x1] =	stream.linear.gather [hbm4b:s31+s6], $0x80, $0x38;
	[tilespmem:$0x12100] =	vst v63  }
0x14: {  	_ = 	snop  }
0x15: {  	[tilespmem:s14], [sflag:$0x2] =	stream.linear.gather [hbm4b:s8+s6], $0x4000, $0x38;
	[tilespmem:$0x12100] =	vst v63  }
0x16: {  	_ = 	snop  }
0x17: {  	[tilespmem:s15], [sflag:$0x2] =	stream.linear.gather [hbm4b:s9+s6], $0x4000, $0x38;
	[tilespmem:$0x12100] =	vst v63  }
0x18: {  	_ =	swait.ge [sflag:s16], $0x2000  }
0x19: {  	[sflag:s16] =	ssyncset.done $0x0  }
0x1a: {  	[sflag:s16] =	ssyncadd.s32 $0xFFFFE000  }
0x1b: {  	_ =	swait.ge [sflag:s16], $0x80  }
0x1c: {  	[sflag:s16] =	ssyncset.done $0x0  }
0x1d: {  	[sflag:s16] =	ssyncadd.s32 $0xFFFFFF80  }
0x1e: {  	_ =	swait.ge [sflag:s16], $0x80  }
0x1f: {  	[sflag:s16] =	ssyncset.done $0x0  }
0x20: {  	[sflag:s16] =	ssyncadd.s32 $0xFFFFFF80  }
0x21: {  	_ =	swait.ge [sflag:s17], $0x4000  }
0x22: {  	[sflag:s17] =	ssyncset.done $0x0  }
0x23: {  	[sflag:s17] =	ssyncadd.s32 $0xFFFFC000  }
0x24: {  	_ =	swait.ge [sflag:s17], $0x4000  }
0x25: {  	[sflag:s17] =	ssyncset.done $0x0  }
0x26: {  	[sflag:s17] =	ssyncadd.s32 $0xFFFFC000  }
0x27: {  	v0 =	vld [tilespmem:$0xA000]  }
0x28: {  	v1 =	vld [tilespmem:$0xA010]  }
0x29: {  	v2 =	vld [tilespmem:$0xA020]  }
0x2a: {  	v4 =	vld [tilespmem:$0xA030]  }
0x2b: {  	v5 =	vld [tilespmem:$0xA040]  }
0x2c: {  	v3 =	vld [tilespmem:$0xA050]  }
0x2d: {  	v6 =	vld [tilespmem:$0xA060]  }
0x2e: {  	v7 =	vld [tilespmem:$0xA070]  }
0x2f: {  	v14 =	vld [tilespmem:$0xA080]  }
0x30: {  	v15 =	vld [tilespmem:$0xA090]  }
0x31: {  	v13 =	vld [tilespmem:$0xA0A0]  }
0x32: {  	v12 =	vld [tilespmem:$0xA0B0]  }
0x33: {  	v11 =	vld [tilespmem:$0xA0C0]  }
0x34: {  	v10 =	vld [tilespmem:$0xA0D0]  }
0x35: {  	v9 =	vld [tilespmem:$0xA0E0]  }
0x36: {  	s0 =	simm.s32 $0x0;
	v8 =	vld [tilespmem:$0xA0F0]  }
0x37: {  	v19 =	vld [tilespmem:s0+$0x0]  }
0x38: {  	v21 =	vld [tilespmem:s0+$0x10]  }
0x39: {  	v20 =	vld [tilespmem:s0+$0x20]  }
0x3a: {  	v18 =	vld [tilespmem:s0+$0x30]  }
0x3b: {  	v16 =	vld [tilespmem:s0+$0x40]  }
0x3c: {  	v17 =	vld [tilespmem:s0+$0x50];
	v22 =	vadd.f32 v19, v14  }
0x3d: {  	s1 =	simm.s32 $0x200;
	v21 =	vadd.f32 v21, v15;
	v19 =	vld [tilespmem:s0+$0x60]  }
.LBB2_2:
0x3e: {  	s2 =	sshra.s32 s1, $0x2;
	p0 =	sne.s32 s1, $0x7E00;
	[tilespmem:s0+$0x0] =	vst v22;
	v20 =	vadd.f32 v20, v13;
	v22 =	vld [tilespmem:s0+$0x70]  }
0x3f: {  	v23 =	vld [tilespmem:s2+$0x0];
	[tilespmem:s0+$0x10] =	vst v21;
	v18 =	vadd.f32 v18, v12  }
0x40: {  	v21 =	vld [tilespmem:s2+$0x10];
	[tilespmem:s0+$0x20] =	vst v20;
	v16 =	vadd.f32 v16, v11  }
.Ltmp0:
0x41: {  	v20 =	vld [tilespmem:s2+$0x20];
	[tilespmem:s0+$0x30] =	vst v18;
	v17 =	vadd.f32 v17, v10;
	(pc) =	sbr.rel @p0 .LBB2_2-.Ltmp0, $4  }
0x42: {  	v18 =	vld [tilespmem:s2+$0x30];
	[tilespmem:s0+$0x40] =	vst v16;
	v19 =	vadd.f32 v19, v9  }
0x43: {  	v16 =	vld [tilespmem:s2+$0x40];
	[tilespmem:s0+$0x50] =	vst v17;
	v24 =	vadd.f32 v22, v8  }
0x44: {  	v22 =	vadd.f32 v23, v14;
	v17 =	vld [tilespmem:s2+$0x50];
	[tilespmem:s0+$0x60] =	vst v19  }
0x45: {  	s1 =	sadd.s32 $0x200, s1;
	v21 =	vadd.f32 v21, v15;
	v19 =	vld [tilespmem:s2+$0x60];
	[tilespmem:s0+$0x70] =	vst v24;
	s0 =	smov.u32 s2  }
0x46: {  	[tilespmem:s0+$0x0] =	vst v22  }
0x47: {  	[tilespmem:$0x1FFB0] =	vst v7  }
0x48: {  	[tilespmem:$0x1FFC0] =	vst v3  }
0x49: {  	[tilespmem:$0x1FFD0] =	vst v6  }
0x4a: {  	[tilespmem:$0x1FFE0] =	vst v5  }
0x4b: {  	v13 =	vadd.f32 v20, v13;
	v14 =	vld [tilespmem:s0+$0x70];
	[tilespmem:$0x1FFF0] =	vst v1  }
0x4c: {  	[tilespmem:s0+$0x10] =	vst v21;
	v12 =	vadd.f32 v18, v12  }
0x4d: {  	[tilespmem:s0+$0x20] =	vst v13;
	v11 =	vadd.f32 v16, v11  }
0x4e: {  	[tilespmem:s0+$0x30] =	vst v12;
	v10 =	vadd.f32 v17, v10  }
0x4f: {  	[tilespmem:s0+$0x40] =	vst v11;
	v9 =	vadd.f32 v19, v9  }
0x50: {  	[tilespmem:s0+$0x50] =	vst v10;
	v8 =	vadd.f32 v14, v8  }
0x51: {  	[tilespmem:s0+$0x60] =	vst v9  }
0x52: {  	s21 =	simm.s32 $0x0;
	[tilespmem:s0+$0x70] =	vst v8  }
.LBB2_4:
0x53: {  	p0 =	seq.s32 s21, $0x0  }
0x54: {  	s0 =	simm.s32 @!p0 $0x1  }
0x55: {  	_ =	swait.ge @!p0 [sflag:s0], $0x4000  }
0x56: {  	[sflag:s0] =	ssyncset.done @!p0 $0x0  }
0x57: {  	s22 =	sshll.u32 s21, $0x9;
	[sflag:s0] =	ssyncadd.s32 @!p0 $0xFFFFC000  }
0x58: {  	v26 =	vld [tilespmem:s22+$0x2000]  }
0x59: {  	s2 =	sadd.s32 $0x6080, s22;
	v28 =	vld [tilespmem:s22+$0x2010]  }
0x5a: {  	s1 =	sadd.s32 $0x6000, s22;
	v29 =	vmov s2;
	v27 =	vld [tilespmem:s22+$0x2020]  }
0x5b: {  	v30 =	vmov s1;
	v23 =	vld [tilespmem:s22+$0x2030]  }
0x5c: {  	v16 =	vld [tilespmem:s22+$0x2040]  }
0x5d: {  	s3 =	simm.s32 $0x0;
	v12 =	vld [tilespmem:s22+$0x2050]  }
0x5e: {  	s4 =	sand.u32 $0x30, s3;
	v31 =	vld [tilespmem:s22+$0x2080]  }
0x5f: {  	v13 =	vld.idx.msk [tilespmem:v29+s4+$0x0 ss:$0x1], $0xffff  }
0x60: {  	s29 =	simm.s32 $0x80;
	v15 =	vld.idx.msk [tilespmem:v30+s4+$0x0 ss:$0x1], $0xffff  }
0x61: {  	s12 =	simm.s32 $0x1;
	v9 =	vld [tilespmem:s29+$0x0]  }
0x62: {  	s1 =	sand.u32 $0xF, s12;
	v10 =	vld [tilespmem:s22+$0x2060]  }
0x63: {  	v11 =	vmov s1;
	v8 =	vld [tilespmem:s22+$0x2070]  }
0x64: {  	v33 =	vld [tilespmem:s22+$0x2090];
	v40 =	vperm.xlane v13, v11  }
0x65: {  	v32 =	vld [tilespmem:s22+$0x20A0];
	v42 =	vperm.xlane v15, v11  }
0x66: {  	v25 =	vld [tilespmem:s22+$0x20B0];
	v17 =	vadd.f32 v9, v31;
	v19 =	vmul.f32 v40, v0  }
0x67: {  	v18 =	vld [tilespmem:s22+$0x20C0];
	v20 =	vadd.f32 v9, v26;
	v21 =	vmul.f32 v42, v0  }
0x68: {  	v14 =	vld [tilespmem:s22+$0x20D0];
	v17 =	vadd.f32 v17, v19  }
0x69: {  	s25 =	simm.s32 $0xC100;
	v9 =	vld [tilespmem:s22+$0x20F0];
	v19 =	vadd.f32 v20, v21  }
0x6a: {  	v11 =	vld [tilespmem:s22+$0x20E0];
	[tilespmem:s25+$0x80] =	vst v17  }
0x6b: {  	[tilespmem:s25+$0xFFFFE080] =	vst v19  }
0x6c: {  	v17 =	vld [tilespmem:s29+$0x10];
	_ =	sdelay $0x4  }
0x6d: {  	v19 =	vmul.f32 v42, v1;
	v20 =	vadd.f32 v17, v28  }
0x6e: {  	v21 =	vmul.f32 v40, v1;
	v17 =	vadd.f32 v17, v33  }
0x6f: {  	v19 =	vadd.f32 v20, v19  }
0x70: {  	s23 =	simm.s32 $0x2;
	v17 =	vadd.f32 v17, v21  }
0x71: {  	s2 =	sand.u32 $0x30, s23;
	[tilespmem:s25+$0xFFFFE090] =	vst v19  }
0x72: {  	v20 =	vld.idx.msk [tilespmem:v29+s2+$0x0 ss:$0x1], $0xffff;
	[tilespmem:s25+$0x90] =	vst v17  }
0x73: {  	v17 =	vld [tilespmem:s29+$0x20]  }
0x74: {  	s24 =	simm.s32 $0x180;
	v21 =	vld.idx.msk [tilespmem:v30+s2+$0x0 ss:$0x1], $0xffff  }
0x75: {  	s26 =	simm.s32 $0x3;
	v22 =	vld [tilespmem:s24+$0x0]  }
0x76: {  	s2 =	sand.u32 $0xF, s26  }
0x77: {  	v24 =	vmov s2  }
0x78: {  	v34 =	vmul.f32 v42, v2;
	v19 =	vperm.xlane v20, v24;
	v35 =	vadd.f32 v17, v27  }
0x79: {  	v36 =	vmul.f32 v40, v2;
	v37 =	vadd.f32 v17, v32;
	v17 =	vperm.xlane v21, v24  }
0x7a: {  	v47 =	vadd.f32 v22, v31;
	v38 =	vmul.f32 v19, v0;
	v24 =	vld [tilespmem:s29+$0xFFFFFF80];
	v34 =	vadd.f32 v35, v34  }
0x7b: {  	s0 =	sand.u32 $0xE, s3;
	v22 =	vadd.f32 v22, v26;
	v36 =	vadd.f32 v37, v36;
	v48 =	vmul.f32 v17, v0  }
0x7c: {  	v41 =	vmov s0;
	v43 =	vld [tilespmem:s24+$0xFFFFFF80];
	v35 =	vadd.f32 v47, v38;
	[tilespmem:s25+$0xFFFFE0A0] =	vst v34  }
0x7d: {  	s1 =	sand.u32 $0xE, s23;
	s23 =	simm.s32 $0xC200;
	v39 =	vperm.xlane v13, v41;
	[tilespmem:s25+$0xA0] =	vst v36;
	v22 =	vadd.f32 v22, v48  }
0x7e: {  	v34 =	vperm.xlane v15, v41;
	v15 =	vmov s1;
	[tilespmem:s23+$0x80] =	vst v35;
	v36 =	vld [tilespmem:s29+$0x30]  }
0x7f: {  	v49 =	vmul.f32 v39, v0;
	v50 =	vadd.f32 v24, v31;
	v13 =	vperm.xlane v20, v15;
	[tilespmem:s23+$0xFFFFE080] =	vst v22  }
0x80: {  	v20 =	vadd.f32 v24, v26;
	v15 =	vperm.xlane v21, v15;
	v22 =	vmul.f32 v34, v0;
	v21 =	vld [tilespmem:s24+$0x10]  }
0x81: {  	v52 =	vadd.f32 v43, v31;
	v24 =	vadd.f32 v50, v49;
	v51 =	vmul.f32 v13, v0  }
0x82: {  	v53 =	vmul.f32 v15, v0;
	v20 =	vadd.f32 v20, v22;
	v22 =	vadd.f32 v43, v26  }
0x83: {  	[tilespmem:s25+$0x0] =	vst v24;
	v24 =	vmul.f32 v42, v4;
	v35 =	vadd.f32 v52, v51;
	v54 =	vadd.f32 v36, v23  }
0x84: {  	[tilespmem:s25+$0xFFFFE000] =	vst v20;
	v20 =	vmul.f32 v40, v4;
	v22 =	vadd.f32 v22, v53;
	v36 =	vadd.f32 v36, v25  }
0x85: {  	v55 =	vmul.f32 v17, v1;
	[tilespmem:s23+$0x0] =	vst v35;
	v57 =	vld [tilespmem:s29+$0xFFFFFF90];
	v24 =	vadd.f32 v54, v24;
	v56 =	vadd.f32 v21, v28  }
0x86: {  	s2 =	simm.s32 $0x4;
	[tilespmem:s23+$0xFFFFE000] =	vst v22;
	v20 =	vadd.f32 v36, v20;
	v22 =	vmul.f32 v19, v1;
	v21 =	vadd.f32 v21, v33  }
0x87: {  	s3 =	sand.u32 $0x30, s2;
	v58 =	vld [tilespmem:s24+$0xFFFFFF90];
	[tilespmem:s25+$0xFFFFE0B0] =	vst v24;
	v24 =	vadd.f32 v56, v55  }
0x88: {  	v63 =	vld.idx.msk [tilespmem:v29+s3+$0x0 ss:$0x1], $0xffff;
	[tilespmem:s25+$0xB0] =	vst v20;
	v20 =	vadd.f32 v21, v22  }
0x89: {  	v59 =	vmul.f32 v39, v1;
	v21 =	vld [tilespmem:s29+$0x40];
	[tilespmem:s23+$0xFFFFE090] =	vst v24  }
0x8a: {  	v62 =	vmul.f32 v13, v1;
	[tilespmem:s23+$0x90] =	vst v20;
	v20 =	vmul.f32 v34, v1;
	v22 =	vadd.f32 v57, v28  }
0x8b: {  	v53 =	vmul.f32 v42, v5;
	v54 =	vmul.f32 v17, v2;
	v60 =	vadd.f32 v57, v33;
	v24 =	vld [tilespmem:s24+$0x20]  }
0x8c: {  	s0 =	sand.u32 $0xE, s2;
	v20 =	vadd.f32 v22, v20;
	v22 =	vmul.f32 v15, v1;
	v61 =	vadd.f32 v58, v28  }
0x8d: {  	s26 =	simm.s32 $0x280;
	v44 =	vld.idx.msk [tilespmem:v30+s3+$0x0 ss:$0x1], $0xffff;
	v36 =	vadd.f32 v60, v59;
	v35 =	vadd.f32 v58, v33;
	v58 =	vmov s0  }
0x8e: {  	v46 =	vld [tilespmem:s26+$0xFFFFFF80];
	v59 =	vmul.f32 v40, v5;
	v22 =	vadd.f32 v61, v22;
	v52 =	vadd.f32 v21, v16  }
0x8f: {  	s4 =	simm.s32 $0x5;
	v35 =	vadd.f32 v35, v62;
	[tilespmem:s25+$0xFFFFE010] =	vst v20;
	v47 =	vadd.f32 v21, v18;
	v20 =	vperm.xlane v63, v58  }
0x90: {  	s12 =	sand.u32 $0xF, s4;
	v55 =	vld [tilespmem:s26+$0x0];
	v21 =	vmul.f32 v19, v2;
	[tilespmem:s25+$0x10] =	vst v36;
	v45 =	vadd.f32 v24, v27;
	v24 =	vadd.f32 v24, v32  }
0x91: {  	v38 =	vadd.f32 v52, v53;
	[tilespmem:s23+$0xFFFFE010] =	vst v22;
	v22 =	vmov s12;
	v62 =	vmul.f32 v20, v0  }
0x92: {  	v48 =	vld [tilespmem:s29+$0xFFFFFFA0];
	[tilespmem:s23+$0x10] =	vst v35;
	v57 =	vadd.f32 v47, v59;
	v60 =	vadd.f32 v24, v21;
	v21 =	vperm.xlane v44, v58  }
0x93: {  	v37 =	vadd.f32 v45, v54;
	v24 =	vperm.xlane v63, v22;
	[tilespmem:s25+$0xFFFFE0C0] =	vst v38;
	v63 =	vadd.f32 v46, v31  }
0x94: {  	v61 =	vadd.f32 v46, v26;
	v49 =	vld [tilespmem:s24+$0xFFFFFFA0];
	v22 =	vperm.xlane v44, v22;
	[tilespmem:s25+$0xC0] =	vst v57;
	v56 =	vmul.f32 v21, v0  }
0x95: {  	v58 =	vadd.f32 v55, v31;
	[tilespmem:s23+$0xFFFFE0A0] =	vst v37;
	v59 =	vmul.f32 v24, v0;
	v41 =	vadd.f32 v63, v62  }
0x96: {  	s28 =	simm.s32 $0xC300;
	v36 =	vadd.f32 v55, v26;
	v47 =	vld [tilespmem:s29+$0x50];
	[tilespmem:s23+$0xA0] =	vst v60;
	v50 =	vmul.f32 v22, v0;
	v37 =	vadd.f32 v61, v56  }
0x97: {  	v51 =	vmul.f32 v34, v2;
	v52 =	vadd.f32 v48, v27;
	v60 =	vld [tilespmem:s24+$0x30];
	v35 =	vadd.f32 v58, v59;
	[tilespmem:s28+$0x0] =	vst v41  }
0x98: {  	v53 =	vmul.f32 v39, v2;
	v54 =	vadd.f32 v48, v32;
	v36 =	vadd.f32 v36, v50;
	[tilespmem:s28+$0xFFFFE000] =	vst v37  }
0x99: {  	v55 =	vadd.f32 v52, v51;
	v56 =	vmul.f32 v15, v2;
	v57 =	vadd.f32 v49, v27;
	[tilespmem:s28+$0x80] =	vst v35  }
0x9a: {  	v41 =	vadd.f32 v54, v53;
	v61 =	vmul.f32 v13, v2;
	v46 =	vadd.f32 v49, v32;
	[tilespmem:s28+$0xFFFFE080] =	vst v36;
	v58 =	vld [tilespmem:s26+$0xFFFFFF90]  }
0x9b: {  	v53 =	vmul.f32 v40, v3;
	[tilespmem:s25+$0xFFFFE020] =	vst v55;
	v62 =	vadd.f32 v57, v56;
	v52 =	vadd.f32 v47, v14  }
0x9c: {  	v63 =	vmul.f32 v17, v4;
	[tilespmem:s25+$0x20] =	vst v41;
	v49 =	vadd.f32 v46, v61;
	v44 =	vld [tilespmem:s26+$0x10];
	v48 =	vadd.f32 v60, v23  }
0x9d: {  	v50 =	vmul.f32 v19, v4;
	v43 =	vadd.f32 v60, v25;
	[tilespmem:s23+$0xFFFFE020] =	vst v62;
	v37 =	vadd.f32 v52, v53  }
0x9e: {  	v57 =	vmul.f32 v42, v3;
	v47 =	vadd.f32 v47, v12;
	v54 =	vld [tilespmem:s29+$0xFFFFFFB0];
	[tilespmem:s23+$0x20] =	vst v49;
	v51 =	vadd.f32 v48, v63  }
0x9f: {  	v60 =	vmul.f32 v21, v1;
	v59 =	vadd.f32 v43, v50;
	[tilespmem:s25+$0xD0] =	vst v37;
	v61 =	vadd.f32 v58, v28  }
0xa0: {  	v62 =	vmul.f32 v20, v1;
	v47 =	vadd.f32 v47, v57;
	v63 =	vld [tilespmem:s24+$0xFFFFFFB0];
	[tilespmem:s23+$0xFFFFE0B0] =	vst v51;
	v35 =	vadd.f32 v58, v33  }
0xa1: {  	v55 =	vmul.f32 v22, v1;
	[tilespmem:s23+$0xB0] =	vst v59;
	v56 =	vadd.f32 v44, v28;
	v43 =	vadd.f32 v61, v60  }
0xa2: {  	v49 =	vmul.f32 v24, v1;
	[tilespmem:s25+$0xFFFFE0D0] =	vst v47;
	v44 =	vadd.f32 v44, v33;
	v58 =	vld [tilespmem:s24+$0x40];
	v35 =	vadd.f32 v35, v62  }
0xa3: {  	v50 =	vadd.f32 v54, v23;
	v41 =	vadd.f32 v56, v55;
	[tilespmem:s28+$0xFFFFE010] =	vst v43  }
0xa4: {  	v51 =	vmul.f32 v34, v4;
	v52 =	vadd.f32 v54, v25;
	v37 =	vadd.f32 v44, v49;
	[tilespmem:s28+$0x10] =	vst v35  }
0xa5: {  	v53 =	vmul.f32 v39, v4;
	v60 =	vadd.f32 v63, v25;
	v38 =	vadd.f32 v63, v23;
	v63 =	vld [tilespmem:s29+$0x60];
	[tilespmem:s28+$0xFFFFE090] =	vst v41  }
0xa6: {  	v59 =	vadd.f32 v50, v51;
	v61 =	vmul.f32 v13, v4;
	v62 =	vmul.f32 v15, v4;
	[tilespmem:s28+$0x90] =	vst v37;
	v54 =	vld [tilespmem:s26+$0xFFFFFFA0]  }
0xa7: {  	v56 =	vmul.f32 v17, v5;
	v35 =	vadd.f32 v52, v53;
	v57 =	vld [tilespmem:s26+$0x20];
	v55 =	vadd.f32 v58, v16  }
0xa8: {  	[tilespmem:s25+$0xFFFFE030] =	vst v59;
	v43 =	vadd.f32 v60, v61;
	v46 =	vadd.f32 v38, v62  }
0xa9: {  	v49 =	vmul.f32 v22, v2;
	v48 =	vadd.f32 v58, v18;
	[tilespmem:s25+$0x30] =	vst v35;
	v41 =	vadd.f32 v55, v56  }
0xaa: {  	s4 =	simm.s32 $0x6;
	v58 =	vmul.f32 v21, v2;
	v38 =	vld [tilespmem:s29+$0xFFFFFFC0];
	v36 =	vadd.f32 v63, v10;
	v37 =	vadd.f32 v63, v11  }
0xab: {  	s1 =	sand.u32 $0x30, s4;
	v56 =	vmul.f32 v42, v6;
	v59 =	vadd.f32 v54, v27;
	v44 =	vadd.f32 v54, v32  }
0xac: {  	v52 =	vld.idx.msk [tilespmem:v29+s1+$0x0 ss:$0x1], $0xffff;
	v60 =	vmul.f32 v20, v2;
	v61 =	vadd.f32 v57, v27;
	v47 =	vadd.f32 v57, v32  }
0xad: {  	s30 =	simm.s32 $0x380;
	v50 =	vmul.f32 v24, v2;
	v54 =	vld.idx.msk [tilespmem:v30+s1+$0x0 ss:$0x1], $0xffff;
	v45 =	vadd.f32 v36, v56;
	v35 =	vadd.f32 v59, v58  }
0xae: {  	v53 =	vmul.f32 v40, v6;
	v57 =	vld [tilespmem:s30+$0x0];
	v44 =	vadd.f32 v44, v60;
	v62 =	vadd.f32 v61, v49  }
0xaf: {  	v55 =	vmul.f32 v34, v5;
	v63 =	vadd.f32 v38, v16;
	v49 =	vld [tilespmem:s30+$0xFFFFFF80];
	v38 =	vadd.f32 v38, v18;
	[tilespmem:s28+$0xFFFFE020] =	vst v35  }
0xb0: {  	s2 =	sand.u32 $0xE, s4;
	s3 =	simm.s32 $0x7;
	v51 =	vmul.f32 v39, v5;
	v60 =	vadd.f32 v47, v50;
	v47 =	vadd.f32 v37, v53;
	[tilespmem:s28+$0x20] =	vst v44  }
0xb1: {  	s12 =	sand.u32 $0xF, s3;
	v53 =	vmul.f32 v19, v5;
	[tilespmem:s28+$0xFFFFE0A0] =	vst v62;
	v61 =	vadd.f32 v63, v55;
	v62 =	vmov s2  }
0xb2: {  	v51 =	vadd.f32 v38, v51;
	[tilespmem:s28+$0xA0] =	vst v60;
	v63 =	vmov s12;
	v38 =	vperm.xlane v54, v62  }
0xb3: {  	v48 =	vadd.f32 v48, v53;
	v50 =	vld [tilespmem:s26+$0xFFFFFFB0];
	v36 =	vperm.xlane v52, v63;
	v35 =	vperm.xlane v52, v62;
	[tilespmem:s25+$0xFFFFE040] =	vst v61  }
0xb4: {  	v56 =	vld [tilespmem:s26+$0x30];
	v37 =	vperm.xlane v54, v63;
	[tilespmem:s25+$0x40] =	vst v51;
	v61 =	vadd.f32 v57, v31;
	v52 =	vadd.f32 v49, v26  }
0xb5: {  	[tilespmem:s23+$0xFFFFE0C0] =	vst v41;
	v51 =	vld [tilespmem:s29+$0xFFFFFFD0];
	v60 =	vmul.f32 v35, v0;
	v49 =	vadd.f32 v49, v31;
	v62 =	vmul.f32 v36, v0  }
0xb6: {  	[tilespmem:s25+$0xFFFFE0E0] =	vst v45;
	v44 =	vadd.f32 v57, v26;
	v54 =	vmul.f32 v38, v0;
	v45 =	vmul.f32 v37, v0  }
0xb7: {  	v55 =	vmul.f32 v24, v4;
	[tilespmem:s25+$0xE0] =	vst v47;
	v41 =	vadd.f32 v49, v60;
	v47 =	vadd.f32 v61, v62  }
0xb8: {  	s1 =	simm.s32 $0xC400;
	v53 =	vld [tilespmem:s29+$0x70];
	v63 =	vmul.f32 v20, v4;
	[tilespmem:s23+$0xC0] =	vst v48;
	v60 =	vadd.f32 v52, v54;
	v44 =	vadd.f32 v44, v45  }
0xb9: {  	v61 =	vmul.f32 v22, v4;
	v45 =	vld [tilespmem:s24+$0x50];
	v58 =	vadd.f32 v50, v25;
	v49 =	vadd.f32 v56, v23;
	[tilespmem:s1+$0x0] =	vst v41  }
0xba: {  	v56 =	vadd.f32 v56, v25;
	[tilespmem:s1+$0xFFFFE000] =	vst v60;
	v60 =	vmul.f32 v34, v3;
	v62 =	vadd.f32 v51, v14  }
0xbb: {  	[tilespmem:s23+$0xFFFFE030] =	vst v46;
	v41 =	vadd.f32 v58, v63;
	v63 =	vmul.f32 v39, v3;
	v59 =	vadd.f32 v51, v12;
	v51 =	vld [tilespmem:s30+$0xFFFFFF90]  }
0xbc: {  	[tilespmem:s1+$0x80] =	vst v47;
	v58 =	vadd.f32 v49, v61;
	v61 =	vadd.f32 v56, v55  }
0xbd: {  	v40 =	vmul.f32 v40, v7;
	[tilespmem:s1+$0xFFFFE080] =	vst v44;
	v52 =	vadd.f32 v62, v63;
	v62 =	vadd.f32 v59, v60  }
0xbe: {  	v57 =	vmul.f32 v17, v3;
	v49 =	vld [tilespmem:s30+$0x10];
	v63 =	vadd.f32 v53, v9;
	[tilespmem:s28+$0xFFFFE0B0] =	vst v58;
	v58 =	vadd.f32 v45, v12  }
0xbf: {  	v45 =	vadd.f32 v45, v14;
	[tilespmem:s28+$0xB0] =	vst v61;
	v59 =	vmul.f32 v19, v3;
	v53 =	vadd.f32 v53, v8  }
0xc0: {  	v60 =	vmul.f32 v38, v1;
	v40 =	vadd.f32 v63, v40;
	[tilespmem:s25+$0xFFFFE050] =	vst v62;
	v61 =	vadd.f32 v51, v28  }
0xc1: {  	v62 =	vmul.f32 v35, v1;
	v44 =	vadd.f32 v45, v59;
	[tilespmem:s25+$0x50] =	vst v52;
	v63 =	vadd.f32 v51, v33  }
0xc2: {  	[tilespmem:s23+$0x30] =	vst v43;
	v42 =	vmul.f32 v42, v7;
	v47 =	vadd.f32 v58, v57;
	v52 =	vld [tilespmem:s29+$0xFFFFFFE0];
	v57 =	vadd.f32 v61, v60  }
0xc3: {  	v56 =	vmul.f32 v37, v1;
	v55 =	vld [tilespmem:s26+$0x40];
	v58 =	vadd.f32 v49, v28;
	[tilespmem:s23+$0xD0] =	vst v44;
	v60 =	vadd.f32 v63, v62  }
0xc4: {  	v48 =	vmul.f32 v36, v2;
	v59 =	vmul.f32 v36, v1;
	v61 =	vadd.f32 v49, v33;
	[tilespmem:s1+$0xFFFFE010] =	vst v57  }
0xc5: {  	v42 =	vadd.f32 v53, v42;
	v51 =	vmul.f32 v35, v2;
	v62 =	vadd.f32 v58, v56;
	[tilespmem:s1+$0x10] =	vst v60  }
0xc6: {  	[tilespmem:s23+$0xFFFFE0D0] =	vst v47;
	v49 =	vadd.f32 v50, v23;
	v63 =	vmul.f32 v21, v4;
	v44 =	vadd.f32 v61, v59;
	v46 =	vld [tilespmem:s30+$0xFFFFFFA0]  }
0xc7: {  	v50 =	vmul.f32 v37, v2;
	v57 =	vmul.f32 v39, v6;
	[tilespmem:s1+$0xFFFFE090] =	vst v62;
	v60 =	vadd.f32 v52, v11  }
0xc8: {  	v58 =	vadd.f32 v55, v16;
	v62 =	vmul.f32 v34, v6;
	v61 =	vadd.f32 v52, v10;
	[tilespmem:s1+$0x90] =	vst v44;
	v44 =	vld [tilespmem:s24+$0x60]  }
0xc9: {  	[tilespmem:s25+$0xF0] =	vst v40;
	v59 =	vmul.f32 v22, v5;
	v45 =	vadd.f32 v49, v63;
	v63 =	vadd.f32 v60, v57;
	v49 =	vld [tilespmem:s30+$0x20]  }
0xca: {  	[tilespmem:s25+$0xFFFFE0F0] =	vst v42;
	v40 =	vadd.f32 v55, v18;
	v39 =	vmul.f32 v39, v7;
	v53 =	vadd.f32 v61, v62  }
0xcb: {  	s31 =	sshll.u32 s21, $0x2;
	s0 =	simm.s32 $0xC400;
	v43 =	vld [tilespmem:s24+$0xFFFFFFC0];
	s2 =	simm.s32 $0x480;
	v52 =	vmul.f32 v38, v2;
	v47 =	vadd.f32 v58, v59;
	[tilespmem:s25+$0x60] =	vst v63;
	v54 =	vadd.f32 v46, v27  }
.LBB2_5:
0xcc: {  	v42 =	vadd.f32 v46, v32;
	v46 =	vmul.f32 v13, v5;
	[tilespmem:s25+$0xFFFFE060] =	vst v53;
	v53 =	vmul.f32 v34, v7;
	s3 =	smov.u32 s4;
	s4 =	sadd.s32 $0x2, s4  }
0xcd: {  	s12 =	sand.u32 $0x30, s4;
	p1 =	slt.u32 s4, $0x3E;
	v57 =	vadd.f32 v54, v52;
	[tilespmem:s28+$0xFFFFE0C0] =	vst v47;
	v47 =	vadd.f32 v44, v10;
	v52 =	vmul.f32 v17, v6;
	v54 =	vld [tilespmem:s29+$0xFFFFFFF0];
	s29 =	smov.u32 s24  }
0xce: {  	s24 =	smov.u32 s26;
	s26 =	smov.u32 s30;
	s30 =	smov.u32 s2;
	v55 =	vld [tilespmem:s2+$0x0];
	v42 =	vadd.f32 v42, v51;
	v51 =	vadd.f32 v49, v27;
	[tilespmem:s28+$0xFFFFE030] =	vst v45;
	v45 =	vmul.f32 v19, v6  }
0xcf: {  	v34 =	vmov v15;
	v44 =	vadd.f32 v44, v11;
	v49 =	vadd.f32 v49, v32;
	v56 =	vld.idx.msk [tilespmem:v29+s12+$0x0 ss:$0x1], $0xffff;
	[tilespmem:s1+$0xFFFFE020] =	vst v57  }
0xd0: {  	v15 =	vmov v21;
	v57 =	vld.idx.msk [tilespmem:v30+s12+$0x0 ss:$0x1], $0xffff;
	[tilespmem:s1+$0x20] =	vst v42;
	v60 =	vadd.f32 v51, v50;
	v50 =	vadd.f32 v43, v16  }
0xd1: {  	v21 =	vmovc v38;
	v58 =	vmul.f32 v34, v5;
	v59 =	vadd.f32 v43, v18;
	v44 =	vadd.f32 v44, v45;
	v51 =	vld [tilespmem:s2+$0xFFFFFF80]  }
0xd2: {  	s3 =	sadd.s32 $0x3, s3;
	v47 =	vadd.f32 v47, v52;
	s12 =	sand.u32 $0xE, s4;
	v38 =	vadd.f32 v49, v48;
	v45 =	vmul.f32 v24, v5;
	v43 =	vld [tilespmem:s26+$0xFFFFFFB0];
	[tilespmem:s1+$0xFFFFE0A0] =	vst v60  }
0xd3: {  	s3 =	sand.u32 $0xF, s3;
	v48 =	vmov s12;
	v49 =	vadd.f32 v50, v58;
	v46 =	vadd.f32 v59, v46;
	v42 =	vmovc v13;
	v13 =	vmovc v20;
	[tilespmem:s23+$0xE0] =	vst v44  }
0xd4: {  	v50 =	vmul.f32 v36, v4;
	v52 =	vadd.f32 v54, v9;
	v20 =	vmovc v35;
	v44 =	vmov s3;
	[tilespmem:s1+$0xA0] =	vst v38  }
0xd5: {  	v60 =	vmul.f32 v37, v4;
	v58 =	vperm.xlane v56, v44;
	v59 =	vld [tilespmem:s26+$0x30];
	[tilespmem:s23+$0xFFFFE040] =	vst v49;
	v49 =	vadd.f32 v54, v8  }
0xd6: {  	v35 =	vperm.xlane v56, v48;
	v38 =	vperm.xlane v57, v48;
	v48 =	vadd.f32 v51, v26;
	[tilespmem:s23+$0x40] =	vst v46  }
0xd7: {  	v44 =	vperm.xlane v57, v44;
	v46 =	vadd.f32 v55, v26;
	v54 =	vld [tilespmem:s29+$0xFFFFFFD0];
	[tilespmem:s23+$0xFFFFE0E0] =	vst v47;
	v47 =	vadd.f32 v49, v53  }
0xd8: {  	v39 =	vadd.f32 v52, v39;
	v49 =	vmul.f32 v38, v0;
	v53 =	vmul.f32 v35, v0;
	v56 =	vld [tilespmem:s29+$0x70]  }
0xd9: {  	s1 =	sadd.s32 $0x100, s1;
	v51 =	vadd.f32 v51, v31;
	v52 =	vmul.f32 v44, v0;
	v57 =	vadd.f32 v43, v25;
	[tilespmem:s25+$0xFFFFE070] =	vst v47  }
0xda: {  	v40 =	vadd.f32 v40, v45;
	v47 =	vadd.f32 v55, v31;
	v55 =	vmul.f32 v58, v0;
	[tilespmem:s25+$0x70] =	vst v39;
	s25 =	smov.u32 s23;
	s23 =	smov.u32 s28;
	s28 =	smov.u32 s0  }
0xdb: {  	v39 =	vadd.f32 v51, v53;
	v45 =	vadd.f32 v59, v23;
	s0 =	smov.u32 s1  }
0xdc: {  	v51 =	vmul.f32 v20, v4;
	v47 =	vadd.f32 v47, v55;
	[tilespmem:s23+$0xC0] =	vst v40;
	v40 =	vadd.f32 v54, v14  }
0xdd: {  	v17 =	vmul.f32 v17, v7;
	v48 =	vadd.f32 v48, v49;
	[tilespmem:s1+$0x0] =	vst v39;
	v39 =	vadd.f32 v46, v52;
	v46 =	vld [tilespmem:s24+$0x50]  }
0xde: {  	v49 =	vmul.f32 v42, v3;
	v55 =	vadd.f32 v57, v51;
	[tilespmem:s1+$0x80] =	vst v47;
	v47 =	vadd.f32 v59, v25  }
0xdf: {  	v45 =	vadd.f32 v45, v60;
	v51 =	vmul.f32 v34, v3;
	[tilespmem:s1+$0xFFFFE000] =	vst v48;
	v48 =	vadd.f32 v54, v12  }
0xe0: {  	v19 =	vmul.f32 v19, v7;
	v40 =	vadd.f32 v40, v49;
	v52 =	vld [tilespmem:s2+$0xFFFFFF90];
	[tilespmem:s1+$0xFFFFE080] =	vst v39;
	v39 =	vadd.f32 v47, v50  }
0xe1: {  	[tilespmem:s28+$0xFFFFE0B0] =	vst v45;
	v45 =	vmul.f32 v22, v3;
	v47 =	vadd.f32 v48, v51;
	v48 =	vadd.f32 v56, v9  }
0xe2: {  	v49 =	vmul.f32 v35, v1;
	v50 =	vld [tilespmem:s2+$0x10];
	[tilespmem:s28+$0xB0] =	vst v39;
	v39 =	vadd.f32 v46, v12;
	v46 =	vadd.f32 v46, v14  }
0xe3: {  	v53 =	vmul.f32 v24, v3;
	v51 =	vld [tilespmem:s26+$0x40];
	[tilespmem:s25+$0xFFFFE050] =	vst v47;
	v47 =	vadd.f32 v56, v8;
	v48 =	vadd.f32 v48, v19  }
0xe4: {  	v54 =	vmul.f32 v38, v1;
	v56 =	vmul.f32 v44, v1;
	v19 =	vmovc v24;
	v39 =	vadd.f32 v39, v45  }
0xe5: {  	v57 =	vmul.f32 v58, v1;
	v46 =	vadd.f32 v46, v53;
	v45 =	vadd.f32 v52, v28;
	[tilespmem:s25+$0x50] =	vst v40  }
0xe6: {  	v24 =	vmovc v36;
	v36 =	vmov v58;
	v40 =	vadd.f32 v52, v33;
	v47 =	vadd.f32 v47, v17;
	v52 =	vld [tilespmem:s29+$0xFFFFFFE0];
	[tilespmem:s25+$0xF0] =	vst v48  }
0xe7: {  	v17 =	vmovc v22;
	v22 =	vmov v37;
	v45 =	vadd.f32 v45, v54;
	v48 =	vadd.f32 v50, v28;
	[tilespmem:s23+$0xD0] =	vst v46  }
0xe8: {  	v37 =	vmov v44;
	v40 =	vadd.f32 v40, v49;
	v46 =	vadd.f32 v50, v33;
	[tilespmem:s25+$0xFFFFE0F0] =	vst v47  }
0xe9: {  	v43 =	vadd.f32 v43, v23;
	[tilespmem:s1+$0xFFFFE010] =	vst v45;
	v44 =	vadd.f32 v48, v56  }
0xea: {  	v47 =	vmul.f32 v21, v4;
	v45 =	vadd.f32 v46, v57;
	v48 =	vmul.f32 v42, v6;
	[tilespmem:s1+$0x10] =	vst v40  }
0xeb: {  	v49 =	vmul.f32 v22, v5;
	v40 =	vadd.f32 v51, v18;
	v46 =	vld [tilespmem:s2+$0xFFFFFFA0];
	[tilespmem:s1+$0xFFFFE090] =	vst v44;
	v44 =	vadd.f32 v51, v16  }
.Ltmp1:
0xec: {  	v50 =	vmul.f32 v34, v6;
	v51 =	vadd.f32 v52, v11;
	[tilespmem:s23+$0xFFFFE0D0] =	vst v39;
	v39 =	vadd.f32 v52, v10;
	(pc) =	sbr.rel @p1 .LBB2_5-.Ltmp1, $4  }
0xed: {  	[tilespmem:s1+$0x90] =	vst v45;
	v45 =	vadd.f32 v43, v47;
	v47 =	vadd.f32 v44, v49;
	v44 =	vld [tilespmem:s24+$0x60]  }
0xee: {  	v52 =	vmul.f32 v38, v2;
	v49 =	vld [tilespmem:s2+$0x20];
	v53 =	vadd.f32 v39, v50;
	v39 =	vadd.f32 v51, v48  }
0xef: {  	v51 =	vmul.f32 v35, v2;
	v50 =	vmul.f32 v37, v2;
	[tilespmem:s23+$0x30] =	vst v41;
	v41 =	vmov v55  }
0xf0: {  	v48 =	vmul.f32 v36, v2;
	s2 =	sadd.s32 $0x100, s2;
	v54 =	vadd.f32 v46, v27;
	v43 =	vld [tilespmem:s24+$0xFFFFFFC0];
	[tilespmem:s25+$0x60] =	vst v39;
	v39 =	vmul.f32 v42, v7  }
0xf1: {  	_ =	sdelay $0x1  }
0xf2: {  	v26 =	vadd.f32 v49, v27  }
0xf3: {  	v27 =	vadd.f32 v49, v32  }
0xf4: {  	v26 =	vadd.f32 v26, v50  }
0xf5: {  	v28 =	vadd.f32 v46, v32;
	v27 =	vadd.f32 v27, v48  }
0xf6: {  	v29 =	vadd.f32 v54, v52;
	[tilespmem:s1+$0xFFFFE0A0] =	vst v26  }
0xf7: {  	v26 =	vadd.f32 v28, v51;
	[tilespmem:s1+$0xA0] =	vst v27  }
0xf8: {  	[tilespmem:s1+$0xFFFFE020] =	vst v29;
	v27 =	vld [tilespmem:s30+$0x30]  }
0xf9: {  	[tilespmem:s1+$0x20] =	vst v26  }
0xfa: {  	v26 =	vld [tilespmem:s30+$0xFFFFFFB0]  }
0xfb: {  	v29 =	vadd.f32 v44, v11;
	v28 =	vmul.f32 v19, v6  }
0xfc: {  	[tilespmem:s25+$0xFFFFE060] =	vst v53  }
0xfd: {  	[tilespmem:s28+$0xFFFFE0C0] =	vst v47;
	v28 =	vadd.f32 v29, v28;
	v29 =	vmul.f32 v37, v4;
	v30 =	vadd.f32 v27, v23  }
0xfe: {  	[tilespmem:s28+$0xFFFFE030] =	vst v45;
	v31 =	vmul.f32 v36, v4;
	v27 =	vadd.f32 v27, v25  }
0xff: {  	v58 =	vld [tilespmem:s29+$0xFFFFFFF0];
	[tilespmem:s23+$0xE0] =	vst v28;
	v28 =	vadd.f32 v30, v29;
	v59 =	vadd.f32 v26, v23;
	v29 =	vmul.f32 v38, v4  }
0x100: {  	[tilespmem:s28+$0x30] =	vst v41;
	v25 =	vadd.f32 v26, v25;
	v26 =	vmul.f32 v35, v4;
	v27 =	vadd.f32 v27, v31  }
0x101: {  	v30 =	vadd.f32 v43, v16;
	v31 =	vmul.f32 v15, v5;
	[tilespmem:s0+$0xFFFFE0B0] =	vst v28;
	v23 =	vadd.f32 v59, v29;
	v28 =	vld [tilespmem:s26+$0xFFFFFFC0]  }
0x102: {  	v33 =	vadd.f32 v43, v18;
	v29 =	vmul.f32 v13, v5;
	v25 =	vadd.f32 v25, v26;
	[tilespmem:s0+$0xB0] =	vst v27  }
0x103: {  	v26 =	vadd.f32 v44, v10;
	v27 =	vmul.f32 v17, v6;
	v30 =	vadd.f32 v30, v31;
	v31 =	vld [tilespmem:s30+$0x40];
	[tilespmem:s0+$0xFFFFE030] =	vst v23  }
0x104: {  	v60 =	vmul.f32 v34, v7;
	v61 =	vadd.f32 v58, v8;
	v29 =	vadd.f32 v33, v29;
	[tilespmem:s0+$0x30] =	vst v25  }
0x105: {  	v25 =	vmul.f32 v24, v5;
	v26 =	vadd.f32 v26, v27;
	[tilespmem:s23+$0xFFFFE040] =	vst v30;
	v27 =	vld [tilespmem:s30+$0xFFFFFFC0]  }
0x106: {  	v23 =	vadd.f32 v61, v60;
	v30 =	vmul.f32 v21, v5;
	[tilespmem:s23+$0x40] =	vst v29;
	v29 =	vadd.f32 v28, v16  }
0x107: {  	[tilespmem:s23+$0xFFFFE0E0] =	vst v26;
	v25 =	vadd.f32 v40, v25;
	v26 =	vmul.f32 v20, v5;
	v28 =	vadd.f32 v28, v18  }
0x108: {  	[tilespmem:s25+$0xFFFFE070] =	vst v23;
	v40 =	vmul.f32 v37, v5;
	v62 =	vld [tilespmem:s24+$0xFFFFFFD0];
	v63 =	vadd.f32 v31, v16;
	v29 =	vadd.f32 v29, v30  }
0x109: {  	[tilespmem:s28+$0xC0] =	vst v25;
	v25 =	vadd.f32 v31, v18;
	v30 =	vmul.f32 v36, v5;
	v26 =	vadd.f32 v28, v26  }
0x10a: {  	v28 =	vld [tilespmem:s26+$0x50];
	v23 =	vadd.f32 v63, v40;
	v16 =	vadd.f32 v27, v16;
	[tilespmem:s28+$0xFFFFE040] =	vst v29;
	v29 =	vmul.f32 v38, v5  }
0x10b: {  	v18 =	vadd.f32 v27, v18;
	[tilespmem:s28+$0x40] =	vst v26;
	v25 =	vadd.f32 v25, v30;
	v26 =	vmul.f32 v35, v5  }
0x10c: {  	v27 =	vadd.f32 v58, v9;
	[tilespmem:s0+$0xFFFFE0C0] =	vst v23;
	v41 =	vld [tilespmem:s26+$0xFFFFFFD0];
	v16 =	vadd.f32 v16, v29  }
0x10d: {  	v30 =	vmul.f32 v15, v3;
	v29 =	vadd.f32 v62, v12;
	[tilespmem:s0+$0xC0] =	vst v25;
	v18 =	vadd.f32 v18, v26  }
0x10e: {  	v25 =	vadd.f32 v27, v39;
	v26 =	vadd.f32 v62, v14;
	v27 =	vmul.f32 v13, v3;
	v31 =	vld [tilespmem:s30+$0x50];
	[tilespmem:s0+$0xFFFFE040] =	vst v16  }
0x10f: {  	v16 =	vadd.f32 v29, v30;
	v29 =	vadd.f32 v28, v14;
	v30 =	vmul.f32 v24, v3;
	[tilespmem:s0+$0x40] =	vst v18  }
0x110: {  	[tilespmem:s25+$0x70] =	vst v25;
	v18 =	vadd.f32 v26, v27;
	v25 =	vmul.f32 v22, v3;
	v26 =	vadd.f32 v28, v12;
	v27 =	vld [tilespmem:s30+$0xFFFFFFD0]  }
0x111: {  	[tilespmem:s23+$0xFFFFE050] =	vst v16;
	v16 =	vadd.f32 v29, v30;
	v28 =	vadd.f32 v41, v12;
	v29 =	vmul.f32 v21, v3  }
0x112: {  	v42 =	vmul.f32 v20, v3;
	v30 =	vld [tilespmem:s24+$0x70];
	v25 =	vadd.f32 v26, v25;
	[tilespmem:s23+$0x50] =	vst v18;
	v18 =	vadd.f32 v41, v14  }
0x113: {  	v26 =	vld [tilespmem:s24+$0xFFFFFFE0];
	[tilespmem:s28+$0xD0] =	vst v16;
	v16 =	vadd.f32 v28, v29;
	v28 =	vadd.f32 v31, v14;
	v29 =	vmul.f32 v36, v3  }
0x114: {  	v43 =	vmul.f32 v37, v3;
	[tilespmem:s28+$0xFFFFE0D0] =	vst v25;
	v18 =	vadd.f32 v18, v42;
	v25 =	vadd.f32 v31, v12  }
0x115: {  	v31 =	vld [tilespmem:s26+$0x60];
	[tilespmem:s28+$0xFFFFE050] =	vst v16;
	v16 =	vadd.f32 v28, v29;
	v12 =	vadd.f32 v27, v12;
	v28 =	vmul.f32 v38, v3  }
0x116: {  	v23 =	vadd.f32 v25, v43;
	[tilespmem:s28+$0x50] =	vst v18;
	v14 =	vadd.f32 v27, v14;
	v18 =	vmul.f32 v35, v3  }
0x117: {  	v19 =	vmul.f32 v19, v7;
	v25 =	vadd.f32 v30, v9;
	v27 =	vld [tilespmem:s26+$0xFFFFFFE0];
	[tilespmem:s0+$0xD0] =	vst v16;
	v12 =	vadd.f32 v12, v28  }
0x118: {  	v16 =	vmul.f32 v13, v6;
	v28 =	vadd.f32 v26, v11;
	[tilespmem:s0+$0xFFFFE0D0] =	vst v23;
	v14 =	vadd.f32 v14, v18  }
0x119: {  	v44 =	vmul.f32 v15, v6;
	v18 =	vadd.f32 v25, v19;
	v19 =	vadd.f32 v26, v10;
	v25 =	vld [tilespmem:s30+$0x60];
	[tilespmem:s0+$0xFFFFE050] =	vst v12  }
0x11a: {  	v12 =	vadd.f32 v28, v16;
	v16 =	vmul.f32 v24, v6;
	v26 =	vadd.f32 v31, v11;
	[tilespmem:s0+$0x50] =	vst v14  }
0x11b: {  	[tilespmem:s23+$0xF0] =	vst v18;
	v14 =	vadd.f32 v19, v44;
	v18 =	vadd.f32 v31, v10;
	v19 =	vmul.f32 v22, v6;
	v45 =	vld [tilespmem:s30+$0xFFFFFFE0]  }
0x11c: {  	[tilespmem:s23+$0x60] =	vst v12;
	v12 =	vadd.f32 v26, v16;
	v16 =	vmul.f32 v20, v6;
	v26 =	vadd.f32 v27, v11  }
0x11d: {  	[tilespmem:s23+$0xFFFFE060] =	vst v14;
	v14 =	vadd.f32 v18, v19;
	v18 =	vadd.f32 v27, v10;
	v19 =	vmul.f32 v21, v6  }
0x11e: {  	v27 =	vld [tilespmem:s24+$0xFFFFFFF0];
	[tilespmem:s28+$0xE0] =	vst v12;
	v12 =	vadd.f32 v26, v16;
	v16 =	vmul.f32 v36, v6;
	v26 =	vadd.f32 v25, v11  }
0x11f: {  	[tilespmem:s28+$0xFFFFE0E0] =	vst v14;
	v14 =	vadd.f32 v18, v19;
	v18 =	vadd.f32 v25, v10;
	v19 =	vmul.f32 v37, v6  }
0x120: {  	v25 =	vld [tilespmem:s26+$0x70];
	[tilespmem:s28+$0x60] =	vst v12;
	v12 =	vadd.f32 v26, v16;
	v16 =	vmul.f32 v35, v6;
	v11 =	vadd.f32 v45, v11  }
0x121: {  	v10 =	vadd.f32 v45, v10;
	[tilespmem:s28+$0xFFFFE060] =	vst v14;
	v14 =	vadd.f32 v18, v19;
	v18 =	vmul.f32 v38, v6  }
0x122: {  	v17 =	vmul.f32 v17, v7;
	v19 =	vadd.f32 v30, v8;
	v46 =	vld [tilespmem:s26+$0xFFFFFFF0];
	[tilespmem:s0+$0xE0] =	vst v12;
	v11 =	vadd.f32 v11, v16  }
0x123: {  	v12 =	vmul.f32 v15, v7;
	v15 =	vadd.f32 v27, v8;
	[tilespmem:s0+$0xFFFFE0E0] =	vst v14;
	v10 =	vadd.f32 v10, v18  }
0x124: {  	v13 =	vmul.f32 v13, v7;
	v14 =	vadd.f32 v19, v17;
	v16 =	vadd.f32 v27, v9;
	v17 =	vld [tilespmem:s30+$0x70];
	[tilespmem:s0+$0x60] =	vst v11  }
0x125: {  	v11 =	vadd.f32 v15, v12;
	v12 =	vmul.f32 v24, v7;
	v15 =	vadd.f32 v25, v9;
	[tilespmem:s0+$0xFFFFE060] =	vst v10  }
0x126: {  	[tilespmem:s23+$0xFFFFE0F0] =	vst v14;
	v10 =	vadd.f32 v16, v13;
	v13 =	vmul.f32 v22, v7;
	v14 =	vadd.f32 v25, v8;
	v16 =	vld [tilespmem:s30+$0xFFFFFFF0]  }
0x127: {  	[tilespmem:s23+$0xFFFFE070] =	vst v11;
	v11 =	vadd.f32 v15, v12;
	v12 =	vmul.f32 v21, v7;
	v15 =	vadd.f32 v46, v8  }
0x128: {  	[tilespmem:s23+$0x70] =	vst v10;
	v10 =	vadd.f32 v14, v13;
	v13 =	vmul.f32 v20, v7;
	v14 =	vadd.f32 v46, v9  }
0x129: {  	[tilespmem:s28+$0xF0] =	vst v11;
	v11 =	vadd.f32 v15, v12;
	v12 =	vmul.f32 v36, v7;
	v15 =	vadd.f32 v17, v9  }
0x12a: {  	[tilespmem:s28+$0xFFFFE0F0] =	vst v10;
	v10 =	vadd.f32 v14, v13;
	v13 =	vmul.f32 v37, v7;
	v14 =	vadd.f32 v17, v8  }
0x12b: {  	[tilespmem:s28+$0xFFFFE070] =	vst v11;
	v11 =	vadd.f32 v15, v12;
	v12 =	vmul.f32 v38, v7;
	v8 =	vadd.f32 v16, v8  }
0x12c: {  	s25 =	sadd.s32 s7, s31;
	[tilespmem:s28+$0x70] =	vst v10;
	v10 =	vadd.f32 v14, v13;
	v13 =	vmul.f32 v35, v7;
	v9 =	vadd.f32 v16, v9  }
0x12d: {  	s1 =	sshll.u32 s25, $0xD;
	[tilespmem:s0+$0xF0] =	vst v11;
	v8 =	vadd.f32 v8, v12  }
0x12e: {  	s1 =	sadd.s32 s10, s1;
	[tilespmem:s0+$0xFFFFE0F0] =	vst v10;
	v9 =	vadd.f32 v9, v13  }
0x12f: {  	s1 =	sshrl.u32 s1, $0x3;
	[tilespmem:s0+$0xFFFFE070] =	vst v8  }
0x130: {  	s26 =	sadd.s32 s5, s1;
	[tilespmem:s0+$0x70] =	vst v9;
	s0 =	sor.u32 $0x2, s31  }
0x131: {  	[hbm4b:s26+s6] =	stream.linear.scatter [tilespmem:s18], [sflag:$0x1], $0x4000, $0x38;
	[tilespmem:$0x12100] =	vst v63  }
0x132: {  	s1 =	simm.s32 @!p0 $0x2;
	s2 =	sshll.u32 s0, $0x7  }
0x133: {  	_ =	swait.ge @!p0 [sflag:s1], $0x4000;
	s28 =	sadd.s32 $0x6000, s2  }
0x134: {  	[sflag:s1] =	ssyncset.done @!p0 $0x0;
	v8 =	vmov s28  }
0x135: {  	[sflag:s1] =	ssyncadd.s32 @!p0 $0xFFFFC000  }
0x136: {  	v11 =	vld [tilespmem:s2+$0x2000]  }
0x137: {  	s1 =	simm.s32 $0x0;
	v19 =	vld [tilespmem:s2+$0x2040]  }
0x138: {  	[tilespmem:$0x1FE60] =	vst v8;
	v21 =	vld [tilespmem:s2+$0x2060];
	s29 =	sand.u32 $0x30, s1  }
0x139: {  	s3 =	sadd.s32 $0x6180, s22;
	v8 =	vld.idx.msk [tilespmem:v8+s29+$0x0 ss:$0x1], $0xffff  }
0x13a: {  	v10 =	vmov s3;
	v9 =	vld [tilespmem:s2+$0x2070]  }
0x13b: {  	v16 =	vld [tilespmem:s22+$0x2190]  }
0x13c: {  	v62 =	vld [tilespmem:s22+$0x21A0];
	s30 =	sand.u32 $0xE, s1  }
0x13d: {  	s4 =	simm.s32 $0x1;
	v24 =	vld [tilespmem:s22+$0x21F0];
	v15 =	vmov s30  }
0x13e: {  	s31 =	sand.u32 $0xF, s4;
	v57 =	vld [tilespmem:s22+$0x21D0];
	[tilespmem:$0x1FE70] =	vst v10;
	v58 =	vperm.xlane v8, v15  }
0x13f: {  	s4 =	simm.s32 $0x0;
	v47 =	vmov s31;
	v13 =	vld.idx.msk [tilespmem:v10+s29+$0x0 ss:$0x1], $0xffff  }
0x140: {  	v29 =	vld [tilespmem:s4+$0x60];
	v25 =	vperm.xlane v8, v47;
	v17 =	vmul.f32 v58, v1  }
0x141: {  	v59 =	vld [tilespmem:s4+$0x40]  }
0x142: {  	v26 =	vld [tilespmem:s4+$0x90];
	[tilespmem:$0x1FF50] =	vst v17;
	v17 =	vmul.f32 v25, v0  }
0x143: {  	v32 =	vld [tilespmem:s4+$0x50]  }
0x144: {  	v30 =	vld [tilespmem:s4+$0x20];
	[tilespmem:$0x1FF80] =	vst v17  }
0x145: {  	v36 =	vld [tilespmem:s4+$0x70]  }
0x146: {  	v27 =	vld [tilespmem:s22+$0x21E0]  }
0x147: {  	v54 =	vld [tilespmem:s22+$0x21B0]  }
0x148: {  	v48 =	vld [tilespmem:s4+$0x10]  }
0x149: {  	v17 =	vadd.f32 v29, v21;
	v53 =	vld [tilespmem:s4+$0x0]  }
0x14a: {  	[tilespmem:$0x1FE90] =	vst v9;
	v51 =	vadd.f32 v36, v9;
	v9 =	vld [tilespmem:s2+$0x2030]  }
0x14b: {  	v10 =	vld [tilespmem:s22+$0x21C0];
	[tilespmem:$0x1FE80] =	vst v17  }
0x14c: {  	v60 =	vld [tilespmem:s4+$0x80];
	[tilespmem:$0x1FEA0] =	vst v16  }
0x14d: {  	v56 =	vperm.xlane v13, v15;
	v13 =	vperm.xlane v13, v47;
	v47 =	vadd.f32 v36, v24;
	v36 =	vld [tilespmem:s4+$0xA0];
	[tilespmem:$0x1FEC0] =	vst v54  }
0x14e: {  	v14 =	vld [tilespmem:s2+$0x2020];
	v37 =	vmul.f32 v58, v7;
	[tilespmem:$0x1FED0] =	vst v27  }
0x14f: {  	v44 =	vadd.f32 v59, v19;
	v15 =	vmul.f32 v58, v5;
	v49 =	vadd.f32 v30, v62;
	[tilespmem:$0x1FEB0] =	vst v9  }
0x150: {  	v40 =	vmul.f32 v56, v2;
	v37 =	vadd.f32 v51, v37;
	v51 =	vadd.f32 v29, v27;
	v29 =	vld [tilespmem:s4+$0xF0];
	[tilespmem:$0x1FEE0] =	vst v57  }
0x151: {  	v12 =	vld [tilespmem:s2+$0x2010];
	[tilespmem:$0x1FEF0] =	vst v10  }
0x152: {  	v44 =	vadd.f32 v44, v15;
	v63 =	vadd.f32 v49, v40;
	v40 =	vld [tilespmem:s4+$0xE0];
	[tilespmem:$0x1FF00] =	vst v11  }
0x153: {  	v20 =	vld [tilespmem:s2+$0x2050];
	[tilespmem:$0x1FF10] =	vst v14  }
0x154: {  	v8 =	vmul.f32 v58, v0;
	v18 =	vmul.f32 v25, v7;
	v17 =	vld [tilespmem:s22+$0x2180];
	v55 =	vadd.f32 v53, v11;
	[tilespmem:s4+$0xE140] =	vst v44  }
0x155: {  	v61 =	vmul.f32 v25, v1;
	v50 =	vmul.f32 v56, v3;
	v44 =	vld [tilespmem:s4+$0xD0];
	[tilespmem:$0x1FF20] =	vst v62  }
0x156: {  	v46 =	vmul.f32 v56, v7;
	v45 =	vadd.f32 v55, v8;
	v55 =	vmul.f32 v25, v2;
	[tilespmem:s4+$0xE170] =	vst v37  }
0x157: {  	v9 =	vmovc v7;
	v7 =	vmov v3;
	v3 =	vmov v1;
	v1 =	vadd.f32 v36, v14;
	[tilespmem:$0x1FF30] =	vst v12  }
0x158: {  	v52 =	vadd.f32 v26, v12;
	v43 =	vadd.f32 v32, v20;
	[tilespmem:s4+$0x10120] =	vst v63  }
0x159: {  	v15 =	vadd.f32 v32, v57;
	v1 =	vadd.f32 v1, v55;
	v32 =	vld [tilespmem:s4+$0xB0];
	[tilespmem:s4+$0xE100] =	vst v45  }
0x15a: {  	v22 =	vadd.f32 v26, v16;
	v23 =	vmul.f32 v25, v6;
	v28 =	vmul.f32 v58, v2;
	v37 =	vld [tilespmem:s4+$0xC0];
	[tilespmem:$0x1FF40] =	vst v24  }
0x15b: {  	v52 =	vadd.f32 v52, v61;
	v8 =	vmul.f32 v13, v2;
	v36 =	vadd.f32 v36, v62;
	[tilespmem:s4+$0xE1A0] =	vst v1  }
0x15c: {  	v59 =	vadd.f32 v59, v10;
	v33 =	vmul.f32 v58, v4;
	v34 =	vmul.f32 v56, v0;
	[tilespmem:$0x1FF60] =	vst v21  }
0x15d: {  	v31 =	vmul.f32 v56, v4;
	v42 =	vmul.f32 v56, v5;
	v63 =	vadd.f32 v36, v8;
	v61 =	vld [tilespmem:$0x1FF50];
	[tilespmem:s4+$0xE190] =	vst v52  }
0x15e: {  	v41 =	vmul.f32 v56, v6;
	v38 =	vmul.f32 v13, v0;
	v35 =	vadd.f32 v30, v14;
	[tilespmem:$0x1FF70] =	vst v20  }
0x15f: {  	v39 =	vadd.f32 v48, v16;
	v48 =	vadd.f32 v48, v12;
	v49 =	vmul.f32 v13, v3;
	[tilespmem:s4+$0x101A0] =	vst v63  }
0x160: {  	v50 =	vadd.f32 v15, v50;
	v57 =	vadd.f32 v60, v11;
	v54 =	vmul.f32 v13, v7;
	v62 =	vld [tilespmem:$0x1FF80]  }
0x161: {  	v15 =	vmul.f32 v13, v9;
	v49 =	vadd.f32 v22, v49;
	v22 =	vadd.f32 v29, v24  }
0x162: {  	v60 =	vadd.f32 v60, v17;
	v56 =	vmul.f32 v56, v3;
	v55 =	vmul.f32 v13, v6  }
0x163: {  	v14 =	vmovc v0;
	v36 =	vmul.f32 v13, v4;
	v8 =	vadd.f32 v40, v21;
	v15 =	vadd.f32 v22, v15  }
0x164: {  	v45 =	vmul.f32 v13, v5;
	v52 =	vadd.f32 v44, v20;
	v63 =	vadd.f32 v53, v17;
	[tilespmem:s4+$0x10190] =	vst v49  }
0x165: {  	v53 =	vadd.f32 v8, v23;
	v8 =	vmul.f32 v58, v7;
	v13 =	vadd.f32 v57, v62;
	v62 =	vld [tilespmem:s4+$0x30];
	[tilespmem:$0x1FF90] =	vst v17  }
0x166: {  	v49 =	vmul.f32 v58, v6;
	v61 =	vadd.f32 v48, v61;
	v48 =	vmul.f32 v25, v4;
	[tilespmem:s4+$0x10150] =	vst v50  }
0x167: {  	s2 =	simm.s32 $0x0;
	v5 =	vmovc v4;
	v4 =	vmov v2;
	v57 =	vmul.f32 v25, v7;
	v50 =	vadd.f32 v37, v19;
	[tilespmem:$0x1FFA0] =	vst v19  }
.LBB2_7:
0x168: {  	v1 =	vld [tilespmem:$0x1FEB0]  }
0x169: {  	v3 =	vld [tilespmem:$0x1FFE0]  }
0x16a: {  	v0 =	vld [tilespmem:$0x1FE60]  }
0x16b: {  	v2 =	vld [tilespmem:$0x1FEC0]  }
0x16c: {  	v17 =	vld [tilespmem:$0x1FEE0]  }
0x16d: {  	v30 =	vld [tilespmem:$0x1FED0]  }
0x16e: {  	v6 =	vld [tilespmem:$0x1FFD0]  }
0x16f: {  	v7 =	vld [tilespmem:$0x1FFB0]  }
0x170: {  	v19 =	vld [tilespmem:$0x1FF30]  }
0x171: {  	v16 =	vld [tilespmem:$0x1FFC0]  }
0x172: {  	v24 =	vld [tilespmem:$0x1FF60]  }
0x173: {  	v20 =	vld [tilespmem:$0x1FF10]  }
0x174: {  	[tilespmem:s4+$0x101F0] =	vst v15;
	v15 =	vadd.f32 v59, v42;
	v59 =	vld [tilespmem:$0x1FE70]  }
0x175: {  	v26 =	vld [tilespmem:$0x1FF20];
	v34 =	vadd.f32 v63, v34  }
0x176: {  	v27 =	vld [tilespmem:$0x1FF40];
	v58 =	vadd.f32 v47, v46;
	v63 =	vadd.f32 v32, v1  }
0x177: {  	v23 =	vadd.f32 v62, v1;
	v44 =	vadd.f32 v44, v17;
	v1 =	vld [tilespmem:$0x1FEF0]  }
0x178: {  	v21 =	vadd.f32 v62, v2;
	v46 =	vadd.f32 v32, v2;
	v2 =	vld [tilespmem:$0x1FEA0]  }
0x179: {  	s3 =	smov.u32 s1;
	s1 =	sadd.s32 $0x2, s1;
	v33 =	vadd.f32 v23, v33;
	v23 =	vadd.f32 v44, v54;
	v44 =	vld [tilespmem:$0x1FE80]  }
0x17a: {  	s12 =	sand.u32 $0x30, s1;
	v8 =	vadd.f32 v43, v8;
	[tilespmem:s4+$0xE180] =	vst v13;
	v31 =	vadd.f32 v21, v31;
	v21 =	vld [tilespmem:$0x1FFA0]  }
0x17b: {  	v13 =	vmul.f32 v25, v3;
	v25 =	vld.idx.msk [tilespmem:v0+s12+$0x0 ss:$0x1], $0xffff;
	[tilespmem:s4+$0x10100] =	vst v34  }
0x17c: {  	s2 =	sadd.s32 $0x400, s2;
	v43 =	vld.idx.msk [tilespmem:v59+s12+$0x0 ss:$0x1], $0xffff;
	[tilespmem:s4+$0xE150] =	vst v8  }
0x17d: {  	s22 =	sshra.s32 s2, $0x2;
	v0 =	vld [tilespmem:$0x1FE90];
	[tilespmem:s4+$0x10170] =	vst v58  }
0x17e: {  	v47 =	vld [tilespmem:s22+$0x70];
	[tilespmem:s4+$0xE130] =	vst v33  }
0x17f: {  	v22 =	vadd.f32 v51, v41;
	v51 =	vld [tilespmem:s22+$0x60];
	[tilespmem:s4+$0xE110] =	vst v61  }
0x180: {  	s31 =	sand.u32 $0xE, s1;
	s3 =	sadd.s32 $0x3, s3;
	v35 =	vadd.f32 v35, v28;
	v39 =	vadd.f32 v39, v56;
	v54 =	vld [tilespmem:s22+$0x50];
	[tilespmem:s4+$0x10140] =	vst v15  }
0x181: {  	[tilespmem:s4+$0xE1E0] =	vst v53;
	v42 =	vadd.f32 v52, v57;
	v28 =	vmov s31;
	s3 =	sand.u32 $0xF, s3;
	v13 =	vadd.f32 v50, v13;
	v15 =	vld [tilespmem:s22+$0x40]  }
0x182: {  	v8 =	vadd.f32 v40, v30;
	v40 =	vmov s3;
	v37 =	vadd.f32 v37, v1;
	[tilespmem:s4+$0x10160] =	vst v22;
	v22 =	vld [tilespmem:$0x1FF70]  }
0x183: {  	v53 =	vperm.xlane v25, v28;
	v56 =	vperm.xlane v43, v28;
	v28 =	vadd.f32 v60, v38;
	v38 =	vld [tilespmem:s22+$0x90]  }
0x184: {  	v36 =	vadd.f32 v46, v36;
	v8 =	vadd.f32 v8, v55;
	v25 =	vperm.xlane v25, v40;
	[tilespmem:s4+$0x101D0] =	vst v23;
	v23 =	vld [tilespmem:$0x1FFF0]  }
0x185: {  	v45 =	vadd.f32 v37, v45;
	v60 =	vld [tilespmem:s22+$0x20];
	[tilespmem:s4+$0x10110] =	vst v39;
	v10 =	vperm.xlane v43, v40;
	v55 =	vmul.f32 v53, v14  }
0x186: {  	v49 =	vadd.f32 v44, v49;
	v59 =	vmul.f32 v53, v3;
	v58 =	vmul.f32 v25, v6;
	v57 =	vld [tilespmem:s22+$0x0];
	[tilespmem:s4+$0x10130] =	vst v31  }
0x187: {  	v41 =	vadd.f32 v29, v0;
	v29 =	vld [tilespmem:s22+$0xF0];
	v62 =	vmul.f32 v25, v7;
	v9 =	vmul.f32 v25, v14;
	[tilespmem:s4+$0xE1D0] =	vst v42  }
0x188: {  	v39 =	vadd.f32 v63, v48;
	v33 =	vmul.f32 v53, v5;
	v52 =	vmul.f32 v53, v7;
	[tilespmem:s4+$0x10180] =	vst v28;
	v48 =	vld [tilespmem:s22+$0x10]  }
0x189: {  	v18 =	vadd.f32 v41, v18;
	v34 =	vmul.f32 v56, v14;
	v28 =	vmul.f32 v53, v4;
	v40 =	vld [tilespmem:s22+$0xE0];
	[tilespmem:s4+$0x101E0] =	vst v8  }
0x18a: {  	v63 =	vmul.f32 v56, v4;
	v31 =	vmul.f32 v56, v5;
	[tilespmem:s4+$0xE120] =	vst v35;
	v46 =	vadd.f32 v51, v24;
	v44 =	vld [tilespmem:s22+$0xD0]  }
0x18b: {  	v42 =	vmul.f32 v56, v3;
	v51 =	vadd.f32 v51, v30;
	v50 =	vadd.f32 v15, v21;
	v32 =	vld [tilespmem:s22+$0xB0];
	[tilespmem:s4+$0xE1B0] =	vst v39  }
0x18c: {  	v11 =	vmul.f32 v56, v16;
	v43 =	vadd.f32 v54, v22;
	[tilespmem:$0x1FE80] =	vst v46;
	v8 =	vadd.f32 v38, v19  }
0x18d: {  	v41 =	vmul.f32 v56, v6;
	v37 =	vld [tilespmem:s22+$0xC0];
	[tilespmem:s4+$0x101C0] =	vst v45;
	v12 =	vadd.f32 v38, v2;
	v35 =	vadd.f32 v60, v20  }
0x18e: {  	v46 =	vmul.f32 v56, v7;
	[tilespmem:s4+$0xE1C0] =	vst v13;
	v13 =	vadd.f32 v47, v0;
	v39 =	vadd.f32 v48, v2;
	v2 =	vld [tilespmem:$0x1FF00]  }
0x18f: {  	v61 =	vmul.f32 v53, v23;
	v45 =	vadd.f32 v60, v26;
	v47 =	vadd.f32 v47, v27;
	v60 =	vld [tilespmem:s22+$0x80];
	[tilespmem:s4+$0x101B0] =	vst v36  }
0x190: {  	[tilespmem:s4+$0xE160] =	vst v49;
	v38 =	vmul.f32 v10, v14;
	v49 =	vmul.f32 v25, v23;
	v36 =	vadd.f32 v50, v59;
	v50 =	vld [tilespmem:s22+$0xA0]  }
0x191: {  	v0 =	vmul.f32 v10, v23;
	v13 =	vadd.f32 v13, v52;
	v45 =	vadd.f32 v45, v63  }
0x192: {  	[tilespmem:s4+$0xE1F0] =	vst v18;
	s4 =	smov.u32 s22;
	v18 =	vmov v62;
	v62 =	vadd.f32 v54, v17;
	v8 =	vadd.f32 v8, v49  }
0x193: {  	v56 =	vmul.f32 v56, v23;
	v0 =	vadd.f32 v12, v0;
	[tilespmem:s4+$0x10120] =	vst v45;
	v59 =	vadd.f32 v57, v2  }
0x194: {  	v45 =	vmul.f32 v10, v3;
	v11 =	vadd.f32 v62, v11;
	v3 =	vld [tilespmem:$0x1FF90];
	[tilespmem:s4+$0xE190] =	vst v8;
	v8 =	vadd.f32 v29, v27  }
0x195: {  	v52 =	vmul.f32 v25, v4;
	[tilespmem:s4+$0xE140] =	vst v36;
	v63 =	vadd.f32 v50, v20;
	v36 =	vadd.f32 v59, v55  }
0x196: {  	v54 =	vmul.f32 v10, v16;
	v59 =	vadd.f32 v15, v1;
	v1 =	vadd.f32 v60, v2  }
0x197: {  	v49 =	vmul.f32 v53, v6;
	v15 =	vadd.f32 v48, v19;
	v48 =	vadd.f32 v50, v26  }
0x198: {  	p0 =	slt.u32 s1, $0x3E;
	[tilespmem:s4+$0xE170] =	vst v13;
	v13 =	vmul.f32 v10, v4;
	v2 =	vadd.f32 v40, v24;
	v63 =	vadd.f32 v63, v52  }
.Ltmp2:
0x199: {  	[tilespmem:s4+$0x10190] =	vst v0;
	v55 =	vmul.f32 v10, v6;
	v52 =	vadd.f32 v44, v22;
	v60 =	vadd.f32 v60, v3;
	(pc) =	sbr.rel @p0 .LBB2_7-.Ltmp2, $4  }
0x19a: {  	v50 =	vadd.f32 v37, v21;
	[tilespmem:s4+$0xE100] =	vst v36;
	v36 =	vmul.f32 v10, v5;
	v10 =	vmul.f32 v10, v7  }
0x19b: {  	v13 =	vadd.f32 v48, v13;
	v48 =	vmul.f32 v25, v5;
	[tilespmem:s4+$0xE1A0] =	vst v63;
	v63 =	vadd.f32 v57, v3  }
0x19c: {  	[tilespmem:s4+$0x10150] =	vst v11;
	v57 =	vmul.f32 v25, v16;
	v61 =	vadd.f32 v15, v61;
	v15 =	vadd.f32 v8, v10  }
0x19d: {  	v62 =	vld [tilespmem:s4+$0x30];
	[tilespmem:s4+$0x101A0] =	vst v13;
	v8 =	vmul.f32 v53, v16;
	v13 =	vadd.f32 v1, v9;
	v53 =	vadd.f32 v2, v58  }
0x19e: {  	v0 =	vadd.f32 v63, v34;
	[tilespmem:s4+$0x101F0] =	vst v15  }
0x19f: {  	[tilespmem:s4+$0xE180] =	vst v13  }
0x1a0: {  	v1 =	vadd.f32 v43, v8;
	[tilespmem:s4+$0x10100] =	vst v0  }
0x1a1: {  	v2 =	vadd.f32 v47, v46;
	v9 =	vld [tilespmem:$0x1FEB0];
	[tilespmem:s4+$0xE1E0] =	vst v53  }
0x1a2: {  	[tilespmem:s4+$0xE150] =	vst v1  }
0x1a3: {  	[tilespmem:s4+$0x10170] =	vst v2  }
0x1a4: {  	v2 =	vld [tilespmem:$0x1FEE0];
	_ =	sdelay $0x3  }
0x1a5: {  	v0 =	vadd.f32 v62, v9  }
0x1a6: {  	v1 =	vadd.f32 v59, v42;
	v2 =	vadd.f32 v44, v2  }
0x1a7: {  	[tilespmem:s4+$0xE110] =	vst v61;
	v0 =	vadd.f32 v0, v33  }
0x1a8: {  	[tilespmem:s4+$0x10140] =	vst v1;
	v2 =	vadd.f32 v2, v54  }
0x1a9: {  	[tilespmem:s4+$0xE130] =	vst v0;
	v0 =	vadd.f32 v51, v41  }
0x1aa: {  	v10 =	vld [tilespmem:$0x1FEC0];
	[tilespmem:s4+$0x101D0] =	vst v2  }
0x1ab: {  	[tilespmem:s4+$0x10160] =	vst v0  }
0x1ac: {  	v2 =	vld [tilespmem:$0x1FED0];
	_ =	sdelay $0x2  }
0x1ad: {  	v8 =	vadd.f32 v39, v56;
	v1 =	vadd.f32 v62, v10  }
0x1ae: {  	v0 =	vadd.f32 v60, v38  }
0x1af: {  	[tilespmem:s4+$0x10110] =	vst v8;
	v2 =	vadd.f32 v40, v2;
	v1 =	vadd.f32 v1, v31  }
0x1b0: {  	[tilespmem:s4+$0x10180] =	vst v0;
	v0 =	vadd.f32 v52, v57  }
0x1b1: {  	v8 =	vadd.f32 v32, v9;
	v2 =	vadd.f32 v2, v55;
	[tilespmem:s4+$0x10130] =	vst v1  }
0x1b2: {  	v1 =	vadd.f32 v35, v28;
	v62 =	vld [tilespmem:$0x1FEF0];
	[tilespmem:s4+$0xE1D0] =	vst v0  }
0x1b3: {  	v8 =	vadd.f32 v8, v48;
	v6 =	vld [tilespmem:$0x1FFE0];
	[tilespmem:s4+$0x101E0] =	vst v2  }
0x1b4: {  	[tilespmem:s4+$0xE120] =	vst v1  }
0x1b5: {  	[tilespmem:s4+$0xE1B0] =	vst v8  }
0x1b6: {  	v8 =	vld [tilespmem:$0x1FE90]  }
0x1b7: {  	v1 =	vadd.f32 v32, v10;
	v3 =	vld [tilespmem:$0x1FE80]  }
0x1b8: {  	v9 =	vadd.f32 v37, v62  }
0x1b9: {  	v1 =	vadd.f32 v1, v36;
	v0 =	vmul.f32 v25, v6  }
0x1ba: {  	v2 =	vadd.f32 v9, v45  }
0x1bb: {  	[tilespmem:s4+$0x101B0] =	vst v1;
	v8 =	vadd.f32 v29, v8;
	v0 =	vadd.f32 v50, v0  }
0x1bc: {  	v63 =	vadd.f32 v3, v49;
	[tilespmem:s4+$0x101C0] =	vst v2  }
0x1bd: {  	[tilespmem:s4+$0xE1C0] =	vst v0;
	v0 =	vadd.f32 v8, v18  }
0x1be: {  	s21 =	sadd.s32 $0x1, s21;
	[tilespmem:s4+$0xE160] =	vst v63  }
0x1bf: {  	s0 =	sadd.s32 s7, s0;
	p0 =	sne.s32 s21, $0x20;
	[tilespmem:s4+$0xE1F0] =	vst v0  }
.Ltmp3:
0x1c0: {  	s0 =	sshll.u32 s0, $0xD;
	v7 =	vld [tilespmem:$0x1FFB0];
	(pc) =	sbr.rel @p0 .LBB2_4-.Ltmp3, $4  }
0x1c1: {  	s0 =	sadd.s32 s10, s0;
	v2 =	vmov v4;
	v4 =	vmov v5;
	v5 =	vmov v6;
	v6 =	vld [tilespmem:$0x1FFD0]  }
0x1c2: {  	s0 =	sshrl.u32 s0, $0x3  }
0x1c3: {  	s0 =	sadd.s32 s5, s0;
	v1 =	vld [tilespmem:$0x1FFF0]  }
0x1c4: {  	[hbm4b:s0+s6] =	stream.linear.scatter [tilespmem:s19], [sflag:$0x2], $0x4000, $0x38;
	v3 =	vld [tilespmem:$0x1FFC0];
	v0 =	vmov v14  }
0x1c5: {  	s20 =	sadd.s32 $0x1, s20  }
0x1c6: {  	_ =	swait.ge [sflag:s16], $0x4000;
	p0 =	sne.s32 s20, s11  }
.Ltmp4:
0x1c7: {  	[sflag:s16] =	ssyncset.done $0x0;
	(pc) =	sbr.rel @p0 .LBB2_1-.Ltmp4, $4  }
0x1c8: {  	[sflag:s16] =	ssyncadd.s32 $0xFFFFC000  }
0x1c9: {  	_ =	swait.ge [sflag:s17], $0x4000  }
0x1ca: {  	[sflag:s17] =	ssyncset.done $0x0  }
0x1cb: {  	[sflag:s17] =	ssyncadd.s32 $0xFFFFC000  }
0x1cc: {  	_ =	sfence.sel $0x180000  }
0x1cd: {  	[bflag:$0x0] =	sbarrier.arrive $0xFFFF  }
0x1ce: {  	_ =	strace $0x90000047  }
0x1cf: {  	s0 =	stileid.u32;
	[bflag:$0x2] =	sbarrier.arrive $0xFFFF  }
0x1d0: {  	p0 =	sne.s32 s0, $0x0;
	s0 =	rddreg [dreg:$0x6]  }
0x1d1: {  	s0 =	sadd.s32 @!p0 $0x100000, s0  }
0x1d2: {  	[sflag:s0] =	ssyncadd.tile.s32 @!p0 $0x1;
	_ =	shalt  }
.Lfunc_end2:
_tile_overlayer_lowered:
.L_overlay_start_2:
0x1d3: {  	(tag) =	ssettag $0x2  }
0x1d4: {  	s0 =	rddreg [dreg:$0x0];
	s2 =	stileid.u32  }
0x1d5: {  	s1 =	rddreg [dreg:$0x1];
	p0 =	sne.s32 s2, $0x0  }
0x1d6: {  	s3 =	rddreg [dreg:$0x2];
	[bflag:$0x3] =	sbarrier.arrive $0xFFFF;
	s2 =	simm.s32 @!p0 $0x1C03  }
0x1d7: {  	[timem:s3], [sflag:s2] =	dma.local @!p0 [hbm:s0], s1  }
0x1d8: {  	s0 =	simm.s32 @!p0 $0x3  }
0x1d9: {  	_ =	swait.ge @!p0 [sflag:s0], s1  }
0x1da: {  	s1 =	ssub.s32 @!p0 $0x0, s1;
	[sflag:s0] =	ssyncset.done @!p0 $0x0  }
0x1db: {  	[sflag:s0] =	ssyncadd.s32 @!p0 s1  }
0x1dc: {  	[bflag:$0x3] =	sbarrier.arrive $0xFFFF  }
0x1dd: {  	_ =	shalt  }

</sc_bundles>
